<compile_context>
chip_gen: v7x
topology: tpu7x:2x2x1
jax: 0.10.2.dev20260603
libtpu: 0.0.44.dev20260713+nightly
codegen_flags: <defaults>
</compile_context>

<pallas_src>
import functools

import jax
import jax.numpy as jnp
from jax import lax
from jax.experimental import pallas as pl
from jax.experimental.pallas import tpu as pltpu
from jax.experimental.pallas import tpu_sc as plsc

N_BANK = 20000
D_FEA = 128
B_Q = 512
N_CLS = 10
K_NN = 5
C_PAD = 128
N_PAD = 20480
CHUNK = 2048
NCH = N_PAD // CHUNK

NEG = -1e30
FBIG = 1e9


def _top6(s, idx_arr):
    vals, idxs = [], []
    m = jnp.max(s, axis=1, keepdims=True)
    sig_prev = 0.0
    c = None
    for r in range(K_NN + 1):
        if r:
            m = jnp.max(jnp.where(c, NEG, s), axis=1, keepdims=True)
        c = s >= m
        sig = jnp.sum(jnp.where(c, idx_arr, 0.0), axis=1, keepdims=True)
        vals.append(m)
        idxs.append(sig - sig_prev)
        sig_prev = sig
    return jnp.concatenate(vals, axis=1), jnp.concatenate(idxs, axis=1)


def _chunk_top6(s, base_f):
    h, q = CHUNK // 2, CHUNK // 4
    a, b = s[:, :h], s[:, h:]
    d1 = b > a
    f1 = jnp.where(d1, b, a)
    p1 = jnp.where(d1, jnp.float32(h), jnp.float32(0.0))
    a2, b2 = f1[:, :q], f1[:, q:]
    d2 = b2 > a2
    f2 = jnp.where(d2, b2, a2)
    pos = (jax.lax.broadcasted_iota(jnp.int32, (1, q), 1).astype(jnp.float32)
           + base_f
           + jnp.where(d2, p1[:, q:] + jnp.float32(q), p1[:, :q]))
    return _top6(f2, pos)


def _merge_step(j, q, blk, cv_ref, ci_ref, n_rows):
    s = lax.dot_general(q, blk, (((1,), (1,)), ((), ())),
                        preferred_element_type=jnp.float32)
    base = j * CHUNK
    maskrow = jnp.where(
        jax.lax.broadcasted_iota(jnp.int32, (1, CHUNK), 1) + base >= N_BANK,
        NEG, 0.0)
    v6, i6 = _chunk_top6(s + maskrow, base.astype(jnp.float32))

    @pl.when(j == 0)
    def _():
        cv_ref[...] = jnp.concatenate(
            [v6, jnp.full((n_rows, 2), NEG, jnp.float32)], axis=1)
        ci_ref[...] = jnp.concatenate(
            [i6, jnp.full((n_rows, 2), FBIG, jnp.float32)], axis=1)

    @pl.when(j > 0)
    def _():
        vc = jnp.concatenate([cv_ref[...], v6], axis=1)
        ic = jnp.concatenate([ci_ref[...], i6], axis=1)
        v2, i2 = _top6(vc, ic)
        cv_ref[:, 0:6] = v2
        ci_ref[:, 0:6] = i2


def _kernel_a(features_ref, pred_ref, fea_blk_ref, score_blk_ref,
              trg_row_ref, trg_col_ref,
              fb_blk_ref, sb_blk_ref, sm_ref, topi1_ref,
              qn_ref, smp_ref, iswin_ref, cv_ref, ci_ref):
    j = pl.program_id(0)

    @pl.when(j == 0)
    def _():
        p = pred_ref[...]
        p = p - jnp.max(p, axis=1, keepdims=True)
        e = jnp.exp(p)
        sm = e / jnp.sum(e, axis=1, keepdims=True)
        sm_ref[...] = sm
        smp_ref[...] = jnp.concatenate(
            [sm, jnp.zeros((B_Q, C_PAD - N_CLS), jnp.float32)], axis=1)

        f = features_ref[...]
        nrm = jnp.sqrt(jnp.sum(f * f, axis=1, keepdims=True))
        qn_ref[...] = f / jnp.maximum(nrm, 1e-12)

        eqm = trg_col_ref[...] == trg_row_ref[...]
        jj0 = jax.lax.broadcasted_iota(jnp.int32, (B_Q, B_Q), 0)
        wj = jnp.max(jnp.where(eqm, jj0, -1), axis=0, keepdims=True)
        pos = jax.lax.broadcasted_iota(jnp.int32, (1, B_Q), 1)
        iswin_ref[...] = (wj == pos).astype(jnp.int32)

    rowid = jax.lax.broadcasted_iota(jnp.int32, (CHUNK, 1), 0) + j * CHUNK
    hit_m = jnp.logical_and(rowid == trg_row_ref[...],
                            iswin_ref[...] > 0)
    mf = hit_m.astype(jnp.float32)
    hit = jnp.max(mf, axis=1, keepdims=True)
    fb_new = jnp.where(
        hit > 0.0,
        lax.dot_general(mf, qn_ref[...], (((1,), (0,)), ((), ())),
                        preferred_element_type=jnp.float32),
        fea_blk_ref[...])
    fb_blk_ref[...] = fb_new
    sb_blk_ref[...] = jnp.where(
        hit > 0.0,
        lax.dot_general(mf, smp_ref[...], (((1,), (0,)), ((), ())),
                        preferred_element_type=jnp.float32),
        jnp.concatenate(
            [score_blk_ref[...],
             jnp.zeros((CHUNK, C_PAD - N_CLS), jnp.float32)], axis=1))

    _merge_step(j, qn_ref[...], fb_new, cv_ref, ci_ref, B_Q)

    @pl.when(j == NCH - 1)
    def _():
        topi1_ref[...] = jnp.clip(ci_ref[:, 0:6], 0.0, N_BANK - 1.0) \
            .astype(jnp.int32)


def _kernel_b(fea_near_ref, fb_blk_ref, topi2_ref, cv_ref, ci_ref):
    j = pl.program_id(0)
    _merge_step(j, fea_near_ref[...], fb_blk_ref[...], cv_ref, ci_ref,
                B_Q * K_NN)

    @pl.when(j == NCH - 1)
    def _():
        topi2_ref[...] = jnp.clip(ci_ref[:, 0:6], 0.0, N_BANK - 1.0) \
            .astype(jnp.int32)


def _kernel_c(s1_ref, s2_ref, sm_ref, inn_ref, trg_col_ref, out_ref):
    sm = sm_ref[...]
    sm_pad = jnp.concatenate(
        [sm, jnp.zeros((B_Q, C_PAD - N_CLS), jnp.float32)], axis=1)

    lane1 = jax.lax.broadcasted_iota(jnp.int32, (B_Q * K_NN, C_PAD), 1)
    s1 = jnp.where(lane1 < N_CLS, s1_ref[...], 1.0)
    kl2 = s1 * (jnp.log(s1) - jnp.repeat(sm_pad, K_NN, axis=0))
    kl2s = jnp.sum(kl2.reshape(B_Q, K_NN, C_PAD), axis=2)

    match = jnp.sum(
        (inn_ref[...] == trg_col_ref[...]).astype(jnp.float32)
        .reshape(B_Q, K_NN, K_NN), axis=2)
    weight = jnp.where(match > 0.0, match, 0.1)
    term2 = jnp.sum(kl2s * weight) / B_Q

    lane2 = jax.lax.broadcasted_iota(jnp.int32, (B_Q * K_NN * K_NN, C_PAD), 1)
    s2 = jnp.where(lane2 < N_CLS, s2_ref[...], 1.0)
    kl1 = s2 * (jnp.log(s2) - jnp.repeat(sm_pad, K_NN * K_NN, axis=0))
    term1 = 0.1 * jnp.sum(kl1) / B_Q

    msm = jnp.mean(sm, axis=0)
    gent = jnp.sum(msm * jnp.log(msm + 1e-5))

    out_ref[...] = jnp.reshape(term1 + term2 + gent, (1, 1))


def _sc_gather(table, idx, d):
    b = idx.shape[0]
    n_workers = 32
    bpw = b // n_workers
    mesh = plsc.VectorSubcoreMesh(core_axis_name="c", subcore_axis_name="s")

    @functools.partial(
        pl.kernel, mesh=mesh,
        out_type=jax.ShapeDtypeStruct((b, d), jnp.float32),
        scratch_types=[
            pltpu.VMEM((bpw,), jnp.int32),
            pltpu.VMEM((bpw, d), jnp.float32),
            pltpu.SemaphoreType.DMA,
        ],
    )
    def k(table_hbm, idx_hbm, out_hbm, idx_v, rows_v, sem):
        wid = lax.axis_index("s") * 2 + lax.axis_index("c")
        base = wid * bpw
        pltpu.sync_copy(idx_hbm.at[pl.ds(base, bpw)], idx_v)
        pltpu.async_copy(table_hbm.at[idx_v], rows_v, sem).wait()
        pltpu.sync_copy(rows_v, out_hbm.at[pl.ds(base, bpw)])

    return k(table, idx)


def kernel(features, predictions, fea_bank, score_bank, trg_idx):
    trg_row = trg_idx.reshape(1, B_Q)
    trg_col = trg_idx.reshape(B_Q, 1)
    fea_bank_p = jnp.pad(fea_bank, ((0, N_PAD - N_BANK), (0, 0)))
    score_bank_p = jnp.pad(score_bank, ((0, N_PAD - N_BANK), (0, 0)))

    fb, sb, sm, topi1 = pl.pallas_call(
        _kernel_a,
        grid=(NCH,),
        out_shape=[
            jax.ShapeDtypeStruct((N_PAD, D_FEA), jnp.float32),
            jax.ShapeDtypeStruct((N_PAD, C_PAD), jnp.float32),
            jax.ShapeDtypeStruct((B_Q, N_CLS), jnp.float32),
            jax.ShapeDtypeStruct((B_Q, K_NN + 1), jnp.int32),
        ],
        in_specs=[
            pl.BlockSpec((B_Q, D_FEA), lambda j: (0, 0)),
            pl.BlockSpec((B_Q, N_CLS), lambda j: (0, 0)),
            pl.BlockSpec((CHUNK, D_FEA), lambda j: (j, 0)),
            pl.BlockSpec((CHUNK, N_CLS), lambda j: (j, 0)),
            pl.BlockSpec((1, B_Q), lambda j: (0, 0)),
            pl.BlockSpec((B_Q, 1), lambda j: (0, 0)),
        ],
        out_specs=[
            pl.BlockSpec((CHUNK, D_FEA), lambda j: (j, 0)),
            pl.BlockSpec((CHUNK, C_PAD), lambda j: (j, 0)),
            pl.BlockSpec((B_Q, N_CLS), lambda j: (0, 0)),
            pl.BlockSpec((B_Q, K_NN + 1), lambda j: (0, 0)),
        ],
        scratch_shapes=[
            pltpu.VMEM((B_Q, D_FEA), jnp.float32),
            pltpu.VMEM((B_Q, C_PAD), jnp.float32),
            pltpu.VMEM((1, B_Q), jnp.int32),
            pltpu.VMEM((B_Q, 8), jnp.float32),
            pltpu.VMEM((B_Q, 8), jnp.float32),
        ],
    )(features, predictions, fea_bank_p, score_bank_p, trg_row, trg_col)

    idx_near = topi1[:, 1:].reshape(B_Q * K_NN)
    fea_near = _sc_gather(fb, idx_near, D_FEA)

    topi2 = pl.pallas_call(
        _kernel_b,
        grid=(NCH,),
        out_shape=jax.ShapeDtypeStruct((B_Q * K_NN, K_NN + 1), jnp.int32),
        in_specs=[
            pl.BlockSpec((B_Q * K_NN, D_FEA), lambda j: (0, 0)),
            pl.BlockSpec((CHUNK, D_FEA), lambda j: (j, 0)),
        ],
        out_specs=pl.BlockSpec((B_Q * K_NN, K_NN + 1), lambda j: (0, 0)),
        scratch_shapes=[
            pltpu.VMEM((B_Q * K_NN, 8), jnp.float32),
            pltpu.VMEM((B_Q * K_NN, 8), jnp.float32),
        ],
    )(fea_near, fb)

    s1 = _sc_gather(sb, idx_near, C_PAD)
    idx_nn = topi2[:, 1:].reshape(B_Q * K_NN * K_NN)
    s2 = _sc_gather(sb, idx_nn, C_PAD)

    loss = pl.pallas_call(
        _kernel_c,
        out_shape=jax.ShapeDtypeStruct((1, 1), jnp.float32),
    )(s1, s2, sm, idx_nn.reshape(B_Q, K_NN * K_NN), trg_col)

    return loss[0, 0]

# --- scband reference (transcript-rebuilt; emitter-appended) ---
"""Pipeline reference for scband-nrc-mapu-8022998908947 (READ-ONLY COPY).

The authoritative reference and input builder live on the scoring server;
editing this copy changes nothing except your own understanding.
"""

import jax, jax.numpy as jnp
import numpy as np


def setup_inputs(seed: int = 0) -> dict:
    key = jax.random.key(seed)
    k1, k2, k3, k4, k5 = jax.random.split(key, 5)
    features = jax.random.normal(k1, (512, 128), dtype=jnp.float32)
    predictions = jax.random.normal(k2, (512, 10), dtype=jnp.float32)
    fea_bank = jax.random.normal(k3, (20000, 128), dtype=jnp.float32)
    # score_bank holds (pseudo-)softmax scores; use positive uniform so log() is finite
    score_bank = jax.random.uniform(k4, (20000, 10), dtype=jnp.float32)
    trg_idx = jax.random.randint(k5, (512,), 0, 20000, dtype=jnp.int32)
    return {"features": features, "predictions": predictions, "fea_bank": fea_bank, "score_bank": score_bank, "trg_idx": trg_idx}


def reference(features, predictions, fea_bank, score_bank, trg_idx):
    # Core NRC neighborhood-clustering retrieval step from NRC_MAPU.update()
    B = features.shape[0]
    C = predictions.shape[1]
    K = 5
    epsilon = 1e-5
    softmax_out = jax.nn.softmax(predictions, axis=1)
    # --- torch.no_grad() block ---
    norm = jnp.linalg.norm(features, axis=1, keepdims=True)
    output_f_norm = features / jnp.maximum(norm, 1e-12)  # F.normalize
    output_f_ = jax.lax.stop_gradient(output_f_norm)
    fb = jax.lax.stop_gradient(fea_bank).at[trg_idx].set(output_f_)
    sb = jax.lax.stop_gradient(score_bank).at[trg_idx].set(jax.lax.stop_gradient(softmax_out))
    distance = output_f_ @ fb.T                                  # [B, N]
    _, idx_near = jax.lax.top_k(distance, K + 1)
    idx_near = idx_near[:, 1:]                                   # [B, K]
    score_near = sb[idx_near]                                    # [B, K, C]
    fea_near = fb[idx_near]                                      # [B, K, d]
    # bmm(fea_near, fea_bank_re.permute(0,2,1))
    distance_ = jnp.einsum('bkd,nd->bkn', fea_near, fb)          # [B, K, N]
    _, idx_near_near = jax.lax.top_k(distance_, K + 1)
    idx_near_near = idx_near_near[:, :, 1:]                      # [B, K, K]
    match = (idx_near_near == trg_idx[:, None, None]).sum(-1).astype(jnp.float32)
    weight = jnp.where(match > 0.0, match, jnp.full_like(match, 0.1))  # [B, K]
    weight_kk = jnp.full((B, K * K), 0.1, dtype=jnp.float32)     # fill_(0.1) then view
    score_near_kk = sb[idx_near_near].reshape(B, K * K, C)       # [B, K*K, C]
    # --- end no_grad ---
    output_re = jnp.broadcast_to(softmax_out[:, None, :], (B, K * K, C))
    # F.kl_div(input, target, reduction='none') = target * (log(target) - input)
    kl1 = score_near_kk * (jnp.log(score_near_kk) - output_re)
    const = jnp.mean((kl1.sum(-1) * weight_kk).sum(1))
    loss = jnp.mean(const)
    output_un = jnp.broadcast_to(softmax_out[:, None, :], (B, K, C))
    kl2 = score_near * (jnp.log(score_near) - output_un)
    loss = loss + jnp.mean((kl2.sum(-1) * weight).sum(1))
    msoftmax = softmax_out.mean(axis=0)
    gentropy_loss = jnp.sum(msoftmax * jnp.log(msoftmax + epsilon))
    loss = loss + gentropy_loss
    return loss

if __name__ == "__main__":
    import jax
    _d = setup_inputs()
    print(jax.jit(kernel)(*tuple(_d.values())))

</pallas_src>

<mosaic_0001>
#map = affine_map<(d0, d1) -> (0, 0)>
#map1 = affine_map<(d0, d1) -> (0)>
module attributes {stable_mosaic.version = 14 : i64} {
  func.func @k(%arg0: i32, %arg1: i32, %arg2: memref<20480x128xf32, #tpu.memory_space<hbm>>, %arg3: memref<2560xi32, #tpu.memory_space<hbm>>, %arg4: memref<2560x128xf32, #tpu.memory_space<hbm>>, %arg5: memref<80xi32, #tpu.memory_space<vmem>>, %arg6: memref<80x128xf32, #tpu.memory_space<vmem>>, %arg7: memref<!tpu.dma_semaphore, #tpu.memory_space<semaphore_mem>>) attributes {dimension_semantics = [#tpu.dimension_semantics<core_parallel>, #tpu.dimension_semantics<subcore_parallel>], iteration_bounds = array<i64: 2, 16>, scalar_prefetch = 0 : i64, scratch_operands = 3 : i64, tpu.core_type = #tpu.core_type<sc_vector_subcore>, window_params = [{transform_indices = #map}, {transform_indices = #map1}, {transform_indices = #map}]} {
    %mul3A = arith.constant 2 : i32
    %mul3A_0 = arith.muli %arg1, %mul3A : i32
    %add3A = arith.addi %mul3A_0, %arg0 : i32
    %mul3A_1 = arith.constant 80 : i32
    %mul3A_2 = arith.muli %add3A, %mul3A_1 : i32
    "tpu.region"() ({
      %run_scoped3A = tpu.sem_alloc : memref<!tpu.dma_semaphore, #tpu.memory_space<semaphore_mem>>
      %dma_start3A_7 = tpu.memref_slice %arg3[%mul3A_2] : memref<2560xi32, #tpu.memory_space<hbm>> -> memref<80xi32, #tpu.memory_space<hbm>>
      %dma_start3A_8 = tpu.memref_slice %arg3[%mul3A_2] : memref<2560xi32, #tpu.memory_space<hbm>> -> memref<80xi32, #tpu.memory_space<hbm>>
      tpu.enqueue_dma source(%dma_start3A_8 : memref<80xi32, #tpu.memory_space<hbm>>) target(%arg5 : memref<80xi32, #tpu.memory_space<vmem>>) target_semaphore(%run_scoped3A : memref<!tpu.dma_semaphore, #tpu.memory_space<semaphore_mem>>)
      %dma_wait3A_9 = tpu.memref_slice %arg3[%mul3A_2] : memref<2560xi32, #tpu.memory_space<hbm>> -> memref<80xi32, #tpu.memory_space<hbm>>
      %dma_wait3A_10 = tpu.memref_slice %arg3[%mul3A_2] : memref<2560xi32, #tpu.memory_space<hbm>> -> memref<80xi32, #tpu.memory_space<hbm>>
      tpu.wait_dma2 semaphore(%run_scoped3A : memref<!tpu.dma_semaphore, #tpu.memory_space<semaphore_mem>>) src(%dma_wait3A_10 : memref<80xi32, #tpu.memory_space<hbm>>) dst(%arg5 : memref<80xi32, #tpu.memory_space<vmem>>)
      tpu.yield
    }) : () -> ()
    %dma_start3A = arith.constant 0 : i32
    %dma_start3A_3 = arith.constant 0 : i32
    %dma_start3A_4 = tpu.memref_slice %arg2[%dma_start3A, %dma_start3A_3] : memref<20480x128xf32, #tpu.memory_space<hbm>> -> memref<20480x128xf32, #tpu.memory_space<hbm>>
    tpu.enqueue_indirect_dma source(%dma_start3A_4 : memref<20480x128xf32, #tpu.memory_space<hbm>>) target(%arg6 : memref<80x128xf32, #tpu.memory_space<vmem>>) offsets(%arg5 : memref<80xi32, #tpu.memory_space<vmem>>) semaphore(%arg7 : memref<!tpu.dma_semaphore, #tpu.memory_space<semaphore_mem>>)
    %dma_wait3A = arith.constant 0 : i32
    %dma_wait3A_5 = arith.constant 0 : i32
    %dma_wait3A_6 = tpu.memref_slice %arg2[%dma_wait3A, %dma_wait3A_5] : memref<20480x128xf32, #tpu.memory_space<hbm>> -> memref<20480x128xf32, #tpu.memory_space<hbm>>
    tpu.wait_indirect_dma semaphore(%arg7 : memref<!tpu.dma_semaphore, #tpu.memory_space<semaphore_mem>>) src(%dma_wait3A_6 : memref<20480x128xf32, #tpu.memory_space<hbm>>) dst(%arg6 : memref<80x128xf32, #tpu.memory_space<vmem>>)
    "tpu.region"() ({
      %run_scoped3A = tpu.sem_alloc : memref<!tpu.dma_semaphore, #tpu.memory_space<semaphore_mem>>
      %dma_start3A_7 = arith.constant 0 : i32
      %dma_start3A_8 = tpu.memref_slice %arg4[%mul3A_2, %dma_start3A_7] : memref<2560x128xf32, #tpu.memory_space<hbm>> -> memref<80x128xf32, #tpu.memory_space<hbm>>
      %dma_start3A_9 = arith.constant 0 : i32
      %dma_start3A_10 = tpu.memref_slice %arg4[%mul3A_2, %dma_start3A_9] : memref<2560x128xf32, #tpu.memory_space<hbm>> -> memref<80x128xf32, #tpu.memory_space<hbm>>
      tpu.enqueue_dma source(%arg6 : memref<80x128xf32, #tpu.memory_space<vmem>>) target(%dma_start3A_10 : memref<80x128xf32, #tpu.memory_space<hbm>>) target_semaphore(%run_scoped3A : memref<!tpu.dma_semaphore, #tpu.memory_space<semaphore_mem>>)
      %dma_wait3A_11 = arith.constant 0 : i32
      %dma_wait3A_12 = tpu.memref_slice %arg4[%mul3A_2, %dma_wait3A_11] : memref<2560x128xf32, #tpu.memory_space<hbm>> -> memref<80x128xf32, #tpu.memory_space<hbm>>
      %dma_wait3A_13 = arith.constant 0 : i32
      %dma_wait3A_14 = tpu.memref_slice %arg4[%mul3A_2, %dma_wait3A_13] : memref<2560x128xf32, #tpu.memory_space<hbm>> -> memref<80x128xf32, #tpu.memory_space<hbm>>
      tpu.wait_dma2 semaphore(%run_scoped3A : memref<!tpu.dma_semaphore, #tpu.memory_space<semaphore_mem>>) src(%arg6 : memref<80x128xf32, #tpu.memory_space<vmem>>) dst(%dma_wait3A_14 : memref<80x128xf32, #tpu.memory_space<hbm>>)
      tpu.yield
    }) : () -> ()
    return
  }
}

#map = affine_map<(d0, d1) -> (0, 0)>
#map1 = affine_map<(d0, d1) -> (0)>
module attributes {stable_mosaic.version = 14 : i64} {
  func.func @k(%arg0: i32, %arg1: i32, %arg2: memref<20480x128xf32, #tpu.memory_space<hbm>>, %arg3: memref<2560xi32, #tpu.memory_space<hbm>>, %arg4: memref<2560x128xf32, #tpu.memory_space<hbm>>, %arg5: memref<80xi32, #tpu.memory_space<vmem>>, %arg6: memref<80x128xf32, #tpu.memory_space<vmem>>, %arg7: memref<!tpu.dma_semaphore, #tpu.memory_space<semaphore_mem>>) attributes {dimension_semantics = [#tpu.dimension_semantics<core_parallel>, #tpu.dimension_semantics<subcore_parallel>], iteration_bounds = array<i64: 2, 16>, scalar_prefetch = 0 : i64, scratch_operands = 3 : i64, tpu.core_type = #tpu.core_type<sc_vector_subcore>, window_params = [{transform_indices = #map}, {transform_indices = #map1}, {transform_indices = #map}]} {
    %mul3A = arith.constant 2 : i32
    %mul3A_0 = arith.muli %arg1, %mul3A : i32
    %add3A = arith.addi %mul3A_0, %arg0 : i32
    %mul3A_1 = arith.constant 80 : i32
    %mul3A_2 = arith.muli %add3A, %mul3A_1 : i32
    "tpu.region"() ({
      %run_scoped3A = tpu.sem_alloc : memref<!tpu.dma_semaphore, #tpu.memory_space<semaphore_mem>>
      %dma_start3A_7 = tpu.memref_slice %arg3[%mul3A_2] : memref<2560xi32, #tpu.memory_space<hbm>> -> memref<80xi32, #tpu.memory_space<hbm>>
      %dma_start3A_8 = tpu.memref_slice %arg3[%mul3A_2] : memref<2560xi32, #tpu.memory_space<hbm>> -> memref<80xi32, #tpu.memory_space<hbm>>
      tpu.enqueue_dma source(%dma_start3A_8 : memref<80xi32, #tpu.memory_space<hbm>>) target(%arg5 : memref<80xi32, #tpu.memory_space<vmem>>) target_semaphore(%run_scoped3A : memref<!tpu.dma_semaphore, #tpu.memory_space<semaphore_mem>>)
      %dma_wait3A_9 = tpu.memref_slice %arg3[%mul3A_2] : memref<2560xi32, #tpu.memory_space<hbm>> -> memref<80xi32, #tpu.memory_space<hbm>>
      %dma_wait3A_10 = tpu.memref_slice %arg3[%mul3A_2] : memref<2560xi32, #tpu.memory_space<hbm>> -> memref<80xi32, #tpu.memory_space<hbm>>
      tpu.wait_dma2 semaphore(%run_scoped3A : memref<!tpu.dma_semaphore, #tpu.memory_space<semaphore_mem>>) src(%dma_wait3A_10 : memref<80xi32, #tpu.memory_space<hbm>>) dst(%arg5 : memref<80xi32, #tpu.memory_space<vmem>>)
      tpu.yield
    }) : () -> ()
    %dma_start3A = arith.constant 0 : i32
    %dma_start3A_3 = arith.constant 0 : i32
    %dma_start3A_4 = tpu.memref_slice %arg2[%dma_start3A, %dma_start3A_3] : memref<20480x128xf32, #tpu.memory_space<hbm>> -> memref<20480x128xf32, #tpu.memory_space<hbm>>
    tpu.enqueue_indirect_dma source(%dma_start3A_4 : memref<20480x128xf32, #tpu.memory_space<hbm>>) target(%arg6 : memref<80x128xf32, #tpu.memory_space<vmem>>) offsets(%arg5 : memref<80xi32, #tpu.memory_space<vmem>>) semaphore(%arg7 : memref<!tpu.dma_semaphore, #tpu.memory_space<semaphore_mem>>)
    %dma_wait3A = arith.constant 0 : i32
    %dma_wait3A_5 = arith.constant 0 : i32
    %dma_wait3A_6 = tpu.memref_slice %arg2[%dma_wait3A, %dma_wait3A_5] : memref<20480x128xf32, #tpu.memory_space<hbm>> -> memref<20480x128xf32, #tpu.memory_space<hbm>>
    tpu.wait_indirect_dma semaphore(%arg7 : memref<!tpu.dma_semaphore, #tpu.memory_space<semaphore_mem>>) src(%dma_wait3A_6 : memref<20480x128xf32, #tpu.memory_space<hbm>>) dst(%arg6 : memref<80x128xf32, #tpu.memory_space<vmem>>)
    "tpu.region"() ({
      %run_scoped3A = tpu.sem_alloc : memref<!tpu.dma_semaphore, #tpu.memory_space<semaphore_mem>>
      %dma_start3A_7 = arith.constant 0 : i32
      %dma_start3A_8 = tpu.memref_slice %arg4[%mul3A_2, %dma_start3A_7] : memref<2560x128xf32, #tpu.memory_space<hbm>> -> memref<80x128xf32, #tpu.memory_space<hbm>>
      %dma_start3A_9 = arith.constant 0 : i32
      %dma_start3A_10 = tpu.memref_slice %arg4[%mul3A_2, %dma_start3A_9] : memref<2560x128xf32, #tpu.memory_space<hbm>> -> memref<80x128xf32, #tpu.memory_space<hbm>>
      tpu.enqueue_dma source(%arg6 : memref<80x128xf32, #tpu.memory_space<vmem>>) target(%dma_start3A_10 : memref<80x128xf32, #tpu.memory_space<hbm>>) target_semaphore(%run_scoped3A : memref<!tpu.dma_semaphore, #tpu.memory_space<semaphore_mem>>)
      %dma_wait3A_11 = arith.constant 0 : i32
      %dma_wait3A_12 = tpu.memref_slice %arg4[%mul3A_2, %dma_wait3A_11] : memref<2560x128xf32, #tpu.memory_space<hbm>> -> memref<80x128xf32, #tpu.memory_space<hbm>>
      %dma_wait3A_13 = arith.constant 0 : i32
      %dma_wait3A_14 = tpu.memref_slice %arg4[%mul3A_2, %dma_wait3A_13] : memref<2560x128xf32, #tpu.memory_space<hbm>> -> memref<80x128xf32, #tpu.memory_space<hbm>>
      tpu.wait_dma2 semaphore(%run_scoped3A : memref<!tpu.dma_semaphore, #tpu.memory_space<semaphore_mem>>) src(%arg6 : memref<80x128xf32, #tpu.memory_space<vmem>>) dst(%dma_wait3A_14 : memref<80x128xf32, #tpu.memory_space<hbm>>)
      tpu.yield
    }) : () -> ()
    return
  }
}

#map = affine_map<(d0, d1) -> (0, 0)>
#map1 = affine_map<(d0, d1) -> (0)>
module attributes {stable_mosaic.version = 14 : i64} {
  func.func @k(%arg0: i32, %arg1: i32, %arg2: memref<20480x128xf32, #tpu.memory_space<hbm>>, %arg3: memref<12800xi32, #tpu.memory_space<hbm>>, %arg4: memref<12800x128xf32, #tpu.memory_space<hbm>>, %arg5: memref<400xi32, #tpu.memory_space<vmem>>, %arg6: memref<400x128xf32, #tpu.memory_space<vmem>>, %arg7: memref<!tpu.dma_semaphore, #tpu.memory_space<semaphore_mem>>) attributes {dimension_semantics = [#tpu.dimension_semantics<core_parallel>, #tpu.dimension_semantics<subcore_parallel>], iteration_bounds = array<i64: 2, 16>, scalar_prefetch = 0 : i64, scratch_operands = 3 : i64, tpu.core_type = #tpu.core_type<sc_vector_subcore>, window_params = [{transform_indices = #map}, {transform_indices = #map1}, {transform_indices = #map}]} {
    %mul3A = arith.constant 2 : i32
    %mul3A_0 = arith.muli %arg1, %mul3A : i32
    %add3A = arith.addi %mul3A_0, %arg0 : i32
    %mul3A_1 = arith.constant 400 : i32
    %mul3A_2 = arith.muli %add3A, %mul3A_1 : i32
    "tpu.region"() ({
      %run_scoped3A = tpu.sem_alloc : memref<!tpu.dma_semaphore, #tpu.memory_space<semaphore_mem>>
      %dma_start3A_7 = tpu.memref_slice %arg3[%mul3A_2] : memref<12800xi32, #tpu.memory_space<hbm>> -> memref<400xi32, #tpu.memory_space<hbm>>
      %dma_start3A_8 = tpu.memref_slice %arg3[%mul3A_2] : memref<12800xi32, #tpu.memory_space<hbm>> -> memref<400xi32, #tpu.memory_space<hbm>>
      tpu.enqueue_dma source(%dma_start3A_8 : memref<400xi32, #tpu.memory_space<hbm>>) target(%arg5 : memref<400xi32, #tpu.memory_space<vmem>>) target_semaphore(%run_scoped3A : memref<!tpu.dma_semaphore, #tpu.memory_space<semaphore_mem>>)
      %dma_wait3A_9 = tpu.memref_slice %arg3[%mul3A_2] : memref<12800xi32, #tpu.memory_space<hbm>> -> memref<400xi32, #tpu.memory_space<hbm>>
      %dma_wait3A_10 = tpu.memref_slice %arg3[%mul3A_2] : memref<12800xi32, #tpu.memory_space<hbm>> -> memref<400xi32, #tpu.memory_space<hbm>>
      tpu.wait_dma2 semaphore(%run_scoped3A : memref<!tpu.dma_semaphore, #tpu.memory_space<semaphore_mem>>) src(%dma_wait3A_10 : memref<400xi32, #tpu.memory_space<hbm>>) dst(%arg5 : memref<400xi32, #tpu.memory_space<vmem>>)
      tpu.yield
    }) : () -> ()
    %dma_start3A = arith.constant 0 : i32
    %dma_start3A_3 = arith.constant 0 : i32
    %dma_start3A_4 = tpu.memref_slice %arg2[%dma_start3A, %dma_start3A_3] : memref<20480x128xf32, #tpu.memory_space<hbm>> -> memref<20480x128xf32, #tpu.memory_space<hbm>>
    tpu.enqueue_indirect_dma source(%dma_start3A_4 : memref<20480x128xf32, #tpu.memory_space<hbm>>) target(%arg6 : memref<400x128xf32, #tpu.memory_space<vmem>>) offsets(%arg5 : memref<400xi32, #tpu.memory_space<vmem>>) semaphore(%arg7 : memref<!tpu.dma_semaphore, #tpu.memory_space<semaphore_mem>>)
    %dma_wait3A = arith.constant 0 : i32
    %dma_wait3A_5 = arith.constant 0 : i32
    %dma_wait3A_6 = tpu.memref_slice %arg2[%dma_wait3A, %dma_wait3A_5] : memref<20480x128xf32, #tpu.memory_space<hbm>> -> memref<20480x128xf32, #tpu.memory_space<hbm>>
    tpu.wait_indirect_dma semaphore(%arg7 : memref<!tpu.dma_semaphore, #tpu.memory_space<semaphore_mem>>) src(%dma_wait3A_6 : memref<20480x128xf32, #tpu.memory_space<hbm>>) dst(%arg6 : memref<400x128xf32, #tpu.memory_space<vmem>>)
    "tpu.region"() ({
      %run_scoped3A = tpu.sem_alloc : memref<!tpu.dma_semaphore, #tpu.memory_space<semaphore_mem>>
      %dma_start3A_7 = arith.constant 0 : i32
      %dma_start3A_8 = tpu.memref_slice %arg4[%mul3A_2, %dma_start3A_7] : memref<12800x128xf32, #tpu.memory_space<hbm>> -> memref<400x128xf32, #tpu.memory_space<hbm>>
      %dma_start3A_9 = arith.constant 0 : i32
      %dma_start3A_10 = tpu.memref_slice %arg4[%mul3A_2, %dma_start3A_9] : memref<12800x128xf32, #tpu.memory_space<hbm>> -> memref<400x128xf32, #tpu.memory_space<hbm>>
      tpu.enqueue_dma source(%arg6 : memref<400x128xf32, #tpu.memory_space<vmem>>) target(%dma_start3A_10 : memref<400x128xf32, #tpu.memory_space<hbm>>) target_semaphore(%run_scoped3A : memref<!tpu.dma_semaphore, #tpu.memory_space<semaphore_mem>>)
      %dma_wait3A_11 = arith.constant 0 : i32
      %dma_wait3A_12 = tpu.memref_slice %arg4[%mul3A_2, %dma_wait3A_11] : memref<12800x128xf32, #tpu.memory_space<hbm>> -> memref<400x128xf32, #tpu.memory_space<hbm>>
      %dma_wait3A_13 = arith.constant 0 : i32
      %dma_wait3A_14 = tpu.memref_slice %arg4[%mul3A_2, %dma_wait3A_13] : memref<12800x128xf32, #tpu.memory_space<hbm>> -> memref<400x128xf32, #tpu.memory_space<hbm>>
      tpu.wait_dma2 semaphore(%run_scoped3A : memref<!tpu.dma_semaphore, #tpu.memory_space<semaphore_mem>>) src(%arg6 : memref<400x128xf32, #tpu.memory_space<vmem>>) dst(%dma_wait3A_14 : memref<400x128xf32, #tpu.memory_space<hbm>>)
      tpu.yield
    }) : () -> ()
    return
  }
}

module attributes {stable_mosaic.version = 14 : i64} {
  func.func @_kernel_a(%arg0: i32, %arg1: memref<512x128xf32, #tpu.memory_space<vmem>>, %arg2: memref<512x10xf32, #tpu.memory_space<vmem>>, %arg3: memref<2048x128xf32, #tpu.memory_space<vmem>>, %arg4: memref<2048x10xf32, #tpu.memory_space<vmem>>, %arg5: memref<1x512xi32, #tpu.memory_space<vmem>>, %arg6: memref<512x1xi32, #tpu.memory_space<vmem>>, %arg7: memref<2048x128xf32, #tpu.memory_space<vmem>>, %arg8: memref<2048x128xf32, #tpu.memory_space<vmem>>, %arg9: memref<512x10xf32, #tpu.memory_space<vmem>>, %arg10: memref<512x6xi32, #tpu.memory_space<vmem>>, %arg11: memref<512x128xf32, #tpu.memory_space<vmem>>, %arg12: memref<512x128xf32, #tpu.memory_space<vmem>>, %arg13: memref<1x512xi32, #tpu.memory_space<vmem>>, %arg14: memref<512x8xf32, #tpu.memory_space<vmem>>, %arg15: memref<512x8xf32, #tpu.memory_space<vmem>>) attributes {dimension_semantics = [#tpu.dimension_semantics<arbitrary>], iteration_bounds = array<i64: 10>, scalar_prefetch = 0 : i64, scratch_operands = 5 : i64, tpu.core_type = #tpu.core_type<tc>, window_params = [{pipeline_mode = #tpu.pipeline_mode<synchronous>, transform_indices = @transform_0, window_bounds = array<i64: 512, 128>}, {pipeline_mode = #tpu.pipeline_mode<synchronous>, transform_indices = @transform_1, window_bounds = array<i64: 512, 10>}, {transform_indices = @transform_2, window_bounds = array<i64: 2048, 128>}, {transform_indices = @transform_3, window_bounds = array<i64: 2048, 10>}, {pipeline_mode = #tpu.pipeline_mode<synchronous>, transform_indices = @transform_4, window_bounds = array<i64: 1, 512>}, {pipeline_mode = #tpu.pipeline_mode<synchronous>, transform_indices = @transform_5, window_bounds = array<i64: 512, 1>}, {transform_indices = @transform_6, window_bounds = array<i64: 2048, 128>}, {transform_indices = @transform_7, window_bounds = array<i64: 2048, 128>}, {pipeline_mode = #tpu.pipeline_mode<synchronous>, transform_indices = @transform_8, window_bounds = array<i64: 512, 10>}, {pipeline_mode = #tpu.pipeline_mode<synchronous>, transform_indices = @transform_9, window_bounds = array<i64: 512, 6>}]} {
    %eq3A = arith.constant 0 : i32
    %eq3A_0 = arith.cmpi eq, %arg0, %eq3A : i32
    %convert_element_type3A = arith.extui %eq3A_0 : i1 to i32
    %cond3A = arith.constant 0 : i32
    %cond3A_1 = arith.cmpi ne, %convert_element_type3A, %cond3A : i32
    scf.if %cond3A_1 {
      %get3A_198 = arith.constant 0 : index
      %get3A_199 = arith.constant 0 : index
      %get3A_200 = vector.load %arg2[%get3A_198, %get3A_199] : memref<512x10xf32, #tpu.memory_space<vmem>>, vector<512x10xf32>
      %reduce_max3A_201 = arith.constant dense<0xFF800000> : vector<512xf32>
      %reduce_max3A_202 = vector.multi_reduction <maximumf>, %get3A_200, %reduce_max3A_201 [1] : vector<512x10xf32> to vector<512xf32>
      %broadcast_in_dim3A_203 = vector.shape_cast %reduce_max3A_202 : vector<512xf32> to vector<512x1xf32>
      %sub3A_204 = vector.broadcast %broadcast_in_dim3A_203 : vector<512x1xf32> to vector<512x10xf32>
      %sub3A_205 = arith.subf %get3A_200, %sub3A_204 : vector<512x10xf32>
      %exp3A = math.exp %sub3A_205 : vector<512x10xf32>
      %reduce_sum3A_206 = arith.constant dense<0.000000e+00> : vector<512xf32>
      %reduce_sum3A_207 = vector.multi_reduction <add>, %exp3A, %reduce_sum3A_206 [1] : vector<512x10xf32> to vector<512xf32>
      %broadcast_in_dim3A_208 = vector.shape_cast %reduce_sum3A_207 : vector<512xf32> to vector<512x1xf32>
      %div3A = vector.broadcast %broadcast_in_dim3A_208 : vector<512x1xf32> to vector<512x10xf32>
      %div3A_209 = arith.divf %exp3A, %div3A : vector<512x10xf32>
      %swap3A_210 = arith.constant 0 : index
      %swap3A_211 = arith.constant 0 : index
      %swap3A_212 = vector.load %arg9[%swap3A_210, %swap3A_211] : memref<512x10xf32, #tpu.memory_space<vmem>>, vector<512x10xf32>
      tpu.vector_store %arg9[%swap3A_210, %swap3A_211], %div3A_209 {strides = array<i32>} : memref<512x10xf32, #tpu.memory_space<vmem>>, vector<512x10xf32>,
      %broadcast_in_dim3A_213 = arith.constant 0.000000e+00 : f32
      %broadcast_in_dim3A_214 = vector.broadcast %broadcast_in_dim3A_213 : f32 to vector<512x118xf32>
      %concatenate3A_215 = tpu.concatenate %div3A_209, %broadcast_in_dim3A_214 in 1 : vector<512x10xf32>, vector<512x118xf32> -> vector<512x128xf32>
      %swap3A_216 = arith.constant 0 : index
      %swap3A_217 = arith.constant 0 : index
      %swap3A_218 = vector.load %arg12[%swap3A_216, %swap3A_217] : memref<512x128xf32, #tpu.memory_space<vmem>>, vector<512x128xf32>
      tpu.vector_store %arg12[%swap3A_216, %swap3A_217], %concatenate3A_215 {strides = array<i32>} : memref<512x128xf32, #tpu.memory_space<vmem>>, vector<512x128xf32>,
      %get3A_219 = arith.constant 0 : index
      %get3A_220 = arith.constant 0 : index
      %get3A_221 = vector.load %arg1[%get3A_219, %get3A_220] : memref<512x128xf32, #tpu.memory_space<vmem>>, vector<512x128xf32>
      %mul3A_222 = arith.mulf %get3A_221, %get3A_221 : vector<512x128xf32>
      %reduce_sum3A_223 = arith.constant dense<0.000000e+00> : vector<512xf32>
      %reduce_sum3A_224 = vector.multi_reduction <add>, %mul3A_222, %reduce_sum3A_223 [1] : vector<512x128xf32> to vector<512xf32>
      %broadcast_in_dim3A_225 = vector.shape_cast %reduce_sum3A_224 : vector<512xf32> to vector<512x1xf32>
      %sqrt3A = math.sqrt %broadcast_in_dim3A_225 : vector<512x1xf32>
      %max3A = arith.constant 9.99999996E-13 : f32
      %max3A_226 = vector.broadcast %max3A : f32 to vector<512x1xf32>
      %max3A_227 = arith.maximumf %sqrt3A, %max3A_226 : vector<512x1xf32>
      %div3A_228 = vector.broadcast %max3A_227 : vector<512x1xf32> to vector<512x128xf32>
      %div3A_229 = arith.divf %get3A_221, %div3A_228 : vector<512x128xf32>
      %swap3A_230 = arith.constant 0 : index
      %swap3A_231 = arith.constant 0 : index
      %swap3A_232 = vector.load %arg11[%swap3A_230, %swap3A_231] : memref<512x128xf32, #tpu.memory_space<vmem>>, vector<512x128xf32>
      tpu.vector_store %arg11[%swap3A_230, %swap3A_231], %div3A_229 {strides = array<i32>} : memref<512x128xf32, #tpu.memory_space<vmem>>, vector<512x128xf32>,
      %get3A_233 = arith.constant 0 : index
      %get3A_234 = arith.constant 0 : index
      %get3A_235 = vector.load %arg6[%get3A_233, %get3A_234] : memref<512x1xi32, #tpu.memory_space<vmem>>, vector<512x1xi32>
      %get3A_236 = arith.constant 0 : index
      %get3A_237 = arith.constant 0 : index
      %get3A_238 = vector.load %arg5[%get3A_236, %get3A_237] : memref<1x512xi32, #tpu.memory_space<vmem>>, vector<1x512xi32>
      %eq3A_239 = vector.broadcast %get3A_235 : vector<512x1xi32> to vector<512x512xi32>
      %eq3A_240 = vector.broadcast %get3A_238 : vector<1x512xi32> to vector<512x512xi32>
      %eq3A_241 = arith.cmpi eq, %eq3A_239, %eq3A_240 : vector<512x512xi32>
      %iota3A_242 = tpu.iota {dimensions = array<i32: 0>} : vector<512x512xi32>
      %jit3A_243 = arith.constant -1 : i32
      %broadcast_in_dim3A_244 = vector.broadcast %jit3A_243 : i32 to vector<512x512xi32>
      %select_n3A_245 = arith.select %eq3A_241, %iota3A_242, %broadcast_in_dim3A_244 : vector<512x512xi1>, vector<512x512xi32>
      %reduce_max3A_246 = arith.constant dense<-2147483648> : vector<512xi32>
      %reduce_max3A_247 = vector.multi_reduction <maxsi>, %select_n3A_245, %reduce_max3A_246 [0] : vector<512x512xi32> to vector<512xi32>
      %broadcast_in_dim3A_248 = vector.shape_cast %reduce_max3A_247 : vector<512xi32> to vector<1x512xi32>
      %iota3A_249 = tpu.iota {dimensions = array<i32: 1>} : vector<1x512xi32>
      %eq3A_250 = arith.cmpi eq, %broadcast_in_dim3A_248, %iota3A_249 : vector<1x512xi32>
      %convert_element_type3A_251 = arith.extui %eq3A_250 : vector<1x512xi1> to vector<1x512xi32>
      %swap3A_252 = arith.constant 0 : index
      %swap3A_253 = arith.constant 0 : index
      %swap3A_254 = vector.load %arg13[%swap3A_252, %swap3A_253] : memref<1x512xi32, #tpu.memory_space<vmem>>, vector<1x512xi32>
      tpu.vector_store %arg13[%swap3A_252, %swap3A_253], %convert_element_type3A_251 {strides = array<i32>} : memref<1x512xi32, #tpu.memory_space<vmem>>, vector<1x512xi32>,
    } else {
    }
    %iota3A = tpu.iota {dimensions = array<i32: 0>} : vector<2048x1xi32>
    %mul3A = arith.constant 2048 : i32
    %mul3A_2 = arith.muli %arg0, %mul3A : i32
    %add3A = vector.broadcast %mul3A_2 : i32 to vector<2048x1xi32>
    %add3A_3 = arith.addi %iota3A, %add3A : vector<2048x1xi32>
    %get3A = arith.constant 0 : index
    %get3A_4 = arith.constant 0 : index
    %get3A_5 = vector.load %arg5[%get3A, %get3A_4] : memref<1x512xi32, #tpu.memory_space<vmem>>, vector<1x512xi32>
    %eq3A_6 = vector.broadcast %add3A_3 : vector<2048x1xi32> to vector<2048x512xi32>
    %eq3A_7 = vector.broadcast %get3A_5 : vector<1x512xi32> to vector<2048x512xi32>
    %eq3A_8 = arith.cmpi eq, %eq3A_6, %eq3A_7 : vector<2048x512xi32>
    %get3A_9 = arith.constant 0 : index
    %get3A_10 = arith.constant 0 : index
    %get3A_11 = vector.load %arg13[%get3A_9, %get3A_10] : memref<1x512xi32, #tpu.memory_space<vmem>>, vector<1x512xi32>
    %gt3A = arith.constant 0 : i32
    %gt3A_12 = vector.broadcast %gt3A : i32 to vector<1x512xi32>
    %gt3A_13 = arith.cmpi sgt, %get3A_11, %gt3A_12 : vector<1x512xi32>
    %and3A = vector.broadcast %gt3A_13 : vector<1x512xi1> to vector<2048x512xi1>
    %and3A_14 = arith.andi %eq3A_8, %and3A : vector<2048x512xi1>
    %convert_element_type3A_15 = arith.extui %and3A_14 : vector<2048x512xi1> to vector<2048x512xi32>
    %convert_element_type3A_16 = arith.sitofp %convert_element_type3A_15 : vector<2048x512xi32> to vector<2048x512xf32>
    %reduce_max3A = arith.constant dense<0xFF800000> : vector<2048xf32>
    %reduce_max3A_17 = vector.multi_reduction <maximumf>, %convert_element_type3A_16, %reduce_max3A [1] : vector<2048x512xf32> to vector<2048xf32>
    %broadcast_in_dim3A = vector.shape_cast %reduce_max3A_17 : vector<2048xf32> to vector<2048x1xf32>
    %gt3A_18 = arith.constant 0.000000e+00 : f32
    %gt3A_19 = vector.broadcast %gt3A_18 : f32 to vector<2048x1xf32>
    %gt3A_20 = arith.cmpf ogt, %broadcast_in_dim3A, %gt3A_19 : vector<2048x1xf32>
    %get3A_21 = arith.constant 0 : index
    %get3A_22 = arith.constant 0 : index
    %get3A_23 = vector.load %arg11[%get3A_21, %get3A_22] : memref<512x128xf32, #tpu.memory_space<vmem>>, vector<512x128xf32>
    %dot_general3A = arith.constant dense<0.000000e+00> : vector<2048x128xf32>
    %dot_general3A_24 = tpu.matmul %convert_element_type3A_16, %get3A_23, %dot_general3A {dimension_numbers = #tpu.dot_dimension_numbers<[1], [0], [0], [1], [0, 0, 1, 1], [], []>, transpose_lhs_hint = false} : vector<2048x512xf32>, vector<512x128xf32>, vector<2048x128xf32> -> vector<2048x128xf32>
    %get3A_25 = arith.constant 0 : index
    %get3A_26 = arith.constant 0 : index
    %get3A_27 = vector.load %arg3[%get3A_25, %get3A_26] : memref<2048x128xf32, #tpu.memory_space<vmem>>, vector<2048x128xf32>
    %broadcast_in_dim3A_28 = vector.shape_cast %gt3A_20 : vector<2048x1xi1> to vector<2048x1xi1>
    %broadcast_in_dim3A_29 = vector.broadcast %broadcast_in_dim3A_28 : vector<2048x1xi1> to vector<2048x128xi1>
    %select_n3A = arith.select %broadcast_in_dim3A_29, %dot_general3A_24, %get3A_27 : vector<2048x128xi1>, vector<2048x128xf32>
    %swap3A = arith.constant 0 : index
    %swap3A_30 = arith.constant 0 : index
    %swap3A_31 = vector.load %arg7[%swap3A, %swap3A_30] : memref<2048x128xf32, #tpu.memory_space<vmem>>, vector<2048x128xf32>
    tpu.vector_store %arg7[%swap3A, %swap3A_30], %select_n3A {strides = array<i32>} : memref<2048x128xf32, #tpu.memory_space<vmem>>, vector<2048x128xf32>,
    %gt3A_32 = arith.constant 0.000000e+00 : f32
    %gt3A_33 = vector.broadcast %gt3A_32 : f32 to vector<2048x1xf32>
    %gt3A_34 = arith.cmpf ogt, %broadcast_in_dim3A, %gt3A_33 : vector<2048x1xf32>
    %get3A_35 = arith.constant 0 : index
    %get3A_36 = arith.constant 0 : index
    %get3A_37 = vector.load %arg12[%get3A_35, %get3A_36] : memref<512x128xf32, #tpu.memory_space<vmem>>, vector<512x128xf32>
    %dot_general3A_38 = arith.constant dense<0.000000e+00> : vector<2048x128xf32>
    %dot_general3A_39 = tpu.matmul %convert_element_type3A_16, %get3A_37, %dot_general3A_38 {dimension_numbers = #tpu.dot_dimension_numbers<[1], [0], [0], [1], [0, 0, 1, 1], [], []>, transpose_lhs_hint = false} : vector<2048x512xf32>, vector<512x128xf32>, vector<2048x128xf32> -> vector<2048x128xf32>
    %get3A_40 = arith.constant 0 : index
    %get3A_41 = arith.constant 0 : index
    %get3A_42 = vector.load %arg4[%get3A_40, %get3A_41] : memref<2048x10xf32, #tpu.memory_space<vmem>>, vector<2048x10xf32>
    %broadcast_in_dim3A_43 = arith.constant 0.000000e+00 : f32
    %broadcast_in_dim3A_44 = vector.broadcast %broadcast_in_dim3A_43 : f32 to vector<2048x118xf32>
    %concatenate3A = tpu.concatenate %get3A_42, %broadcast_in_dim3A_44 in 1 : vector<2048x10xf32>, vector<2048x118xf32> -> vector<2048x128xf32>
    %broadcast_in_dim3A_45 = vector.shape_cast %gt3A_34 : vector<2048x1xi1> to vector<2048x1xi1>
    %broadcast_in_dim3A_46 = vector.broadcast %broadcast_in_dim3A_45 : vector<2048x1xi1> to vector<2048x128xi1>
    %select_n3A_47 = arith.select %broadcast_in_dim3A_46, %dot_general3A_39, %concatenate3A : vector<2048x128xi1>, vector<2048x128xf32>
    %swap3A_48 = arith.constant 0 : index
    %swap3A_49 = arith.constant 0 : index
    %swap3A_50 = vector.load %arg8[%swap3A_48, %swap3A_49] : memref<2048x128xf32, #tpu.memory_space<vmem>>, vector<2048x128xf32>
    tpu.vector_store %arg8[%swap3A_48, %swap3A_49], %select_n3A_47 {strides = array<i32>} : memref<2048x128xf32, #tpu.memory_space<vmem>>, vector<2048x128xf32>,
    %get3A_51 = arith.constant 0 : index
    %get3A_52 = arith.constant 0 : index
    %get3A_53 = vector.load %arg11[%get3A_51, %get3A_52] : memref<512x128xf32, #tpu.memory_space<vmem>>, vector<512x128xf32>
    %dot_general3A_54 = arith.constant dense<0.000000e+00> : vector<512x2048xf32>
    %dot_general3A_55 = tpu.matmul %get3A_53, %select_n3A, %dot_general3A_54 {dimension_numbers = #tpu.dot_dimension_numbers<[1], [1], [0], [0], [0, 0, 1, 0], [], []>, transpose_lhs_hint = false} : vector<512x128xf32>, vector<2048x128xf32>, vector<512x2048xf32> -> vector<512x2048xf32>
    %mul3A_56 = arith.constant 2048 : i32
    %mul3A_57 = arith.muli %arg0, %mul3A_56 : i32
    %iota3A_58 = tpu.iota {dimensions = array<i32: 1>} : vector<1x2048xi32>
    %add3A_59 = vector.broadcast %mul3A_57 : i32 to vector<1x2048xi32>
    %add3A_60 = arith.addi %iota3A_58, %add3A_59 : vector<1x2048xi32>
    %ge3A = arith.constant 20000 : i32
    %ge3A_61 = vector.broadcast %ge3A : i32 to vector<1x2048xi32>
    %ge3A_62 = arith.cmpi sge, %add3A_60, %ge3A_61 : vector<1x2048xi32>
    %jit3A = arith.constant -1.000000e+30 : f32
    %jit3A_63 = arith.constant 0.000000e+00 : f32
    %broadcast_in_dim3A_64 = vector.broadcast %jit3A : f32 to vector<1x2048xf32>
    %broadcast_in_dim3A_65 = vector.broadcast %jit3A_63 : f32 to vector<1x2048xf32>
    %select_n3A_66 = arith.select %ge3A_62, %broadcast_in_dim3A_64, %broadcast_in_dim3A_65 : vector<1x2048xi1>, vector<1x2048xf32>
    %add3A_67 = vector.broadcast %select_n3A_66 : vector<1x2048xf32> to vector<512x2048xf32>
    %add3A_68 = arith.addf %dot_general3A_55, %add3A_67 : vector<512x2048xf32>
    %convert_element_type3A_69 = arith.sitofp %mul3A_57 : i32 to f32
    %slice3A = vector.extract_strided_slice %add3A_68 {offsets = [0, 0], sizes = [512, 1024], strides = [1, 1]} : vector<512x2048xf32> to vector<512x1024xf32>
    %slice3A_70 = vector.extract_strided_slice %add3A_68 {offsets = [0, 1024], sizes = [512, 1024], strides = [1, 1]} : vector<512x2048xf32> to vector<512x1024xf32>
    %gt3A_71 = arith.cmpf ogt, %slice3A_70, %slice3A : vector<512x1024xf32>
    %select_n3A_72 = arith.select %gt3A_71, %slice3A_70, %slice3A : vector<512x1024xi1>, vector<512x1024xf32>
    %jit3A_73 = arith.constant 1.024000e+03 : f32
    %jit3A_74 = arith.constant 0.000000e+00 : f32
    %broadcast_in_dim3A_75 = vector.broadcast %jit3A_73 : f32 to vector<512x1024xf32>
    %broadcast_in_dim3A_76 = vector.broadcast %jit3A_74 : f32 to vector<512x1024xf32>
    %select_n3A_77 = arith.select %gt3A_71, %broadcast_in_dim3A_75, %broadcast_in_dim3A_76 : vector<512x1024xi1>, vector<512x1024xf32>
    %slice3A_78 = vector.extract_strided_slice %select_n3A_72 {offsets = [0, 0], sizes = [512, 512], strides = [1, 1]} : vector<512x1024xf32> to vector<512x512xf32>
    %slice3A_79 = vector.extract_strided_slice %select_n3A_72 {offsets = [0, 512], sizes = [512, 512], strides = [1, 1]} : vector<512x1024xf32> to vector<512x512xf32>
    %gt3A_80 = arith.cmpf ogt, %slice3A_79, %slice3A_78 : vector<512x512xf32>
    %select_n3A_81 = arith.select %gt3A_80, %slice3A_79, %slice3A_78 : vector<512x512xi1>, vector<512x512xf32>
    %iota3A_82 = tpu.iota {dimensions = array<i32: 1>} : vector<1x512xi32>
    %convert_element_type3A_83 = arith.sitofp %iota3A_82 : vector<1x512xi32> to vector<1x512xf32>
    %add3A_84 = vector.broadcast %convert_element_type3A_69 : f32 to vector<1x512xf32>
    %add3A_85 = arith.addf %convert_element_type3A_83, %add3A_84 : vector<1x512xf32>
    %slice3A_86 = vector.extract_strided_slice %select_n3A_77 {offsets = [0, 512], sizes = [512, 512], strides = [1, 1]} : vector<512x1024xf32> to vector<512x512xf32>
    %add3A_87 = arith.constant 5.120000e+02 : f32
    %add3A_88 = vector.broadcast %add3A_87 : f32 to vector<512x512xf32>
    %add3A_89 = arith.addf %slice3A_86, %add3A_88 : vector<512x512xf32>
    %slice3A_90 = vector.extract_strided_slice %select_n3A_77 {offsets = [0, 0], sizes = [512, 512], strides = [1, 1]} : vector<512x1024xf32> to vector<512x512xf32>
    %select_n3A_91 = arith.select %gt3A_80, %add3A_89, %slice3A_90 : vector<512x512xi1>, vector<512x512xf32>
    %add3A_92 = vector.broadcast %add3A_85 : vector<1x512xf32> to vector<512x512xf32>
    %add3A_93 = arith.addf %add3A_92, %select_n3A_91 : vector<512x512xf32>
    %reduce_max3A_94 = arith.constant dense<0xFF800000> : vector<512xf32>
    %reduce_max3A_95 = vector.multi_reduction <maximumf>, %select_n3A_81, %reduce_max3A_94 [1] : vector<512x512xf32> to vector<512xf32>
    %broadcast_in_dim3A_96 = vector.shape_cast %reduce_max3A_95 : vector<512xf32> to vector<512x1xf32>
    %ge3A_97 = vector.broadcast %broadcast_in_dim3A_96 : vector<512x1xf32> to vector<512x512xf32>
    %ge3A_98 = arith.cmpf oge, %select_n3A_81, %ge3A_97 : vector<512x512xf32>
    %jit3A_99 = arith.constant 0.000000e+00 : f32
    %broadcast_in_dim3A_100 = vector.broadcast %jit3A_99 : f32 to vector<512x512xf32>
    %select_n3A_101 = arith.select %ge3A_98, %add3A_93, %broadcast_in_dim3A_100 : vector<512x512xi1>, vector<512x512xf32>
    %reduce_sum3A = arith.constant dense<0.000000e+00> : vector<512xf32>
    %reduce_sum3A_102 = vector.multi_reduction <add>, %select_n3A_101, %reduce_sum3A [1] : vector<512x512xf32> to vector<512xf32>
    %broadcast_in_dim3A_103 = vector.shape_cast %reduce_sum3A_102 : vector<512xf32> to vector<512x1xf32>
    %sub3A = arith.constant 0.000000e+00 : f32
    %sub3A_104 = vector.broadcast %sub3A : f32 to vector<512x1xf32>
    %sub3A_105 = arith.subf %broadcast_in_dim3A_103, %sub3A_104 : vector<512x1xf32>
    %jit3A_106 = arith.constant -1.000000e+30 : f32
    %broadcast_in_dim3A_107 = vector.broadcast %jit3A_106 : f32 to vector<512x512xf32>
    %select_n3A_108 = arith.select %ge3A_98, %broadcast_in_dim3A_107, %select_n3A_81 : vector<512x512xi1>, vector<512x512xf32>
    %reduce_max3A_109 = arith.constant dense<0xFF800000> : vector<512xf32>
    %reduce_max3A_110 = vector.multi_reduction <maximumf>, %select_n3A_108, %reduce_max3A_109 [1] : vector<512x512xf32> to vector<512xf32>
    %broadcast_in_dim3A_111 = vector.shape_cast %reduce_max3A_110 : vector<512xf32> to vector<512x1xf32>
    %ge3A_112 = vector.broadcast %broadcast_in_dim3A_111 : vector<512x1xf32> to vector<512x512xf32>
    %ge3A_113 = arith.cmpf oge, %select_n3A_81, %ge3A_112 : vector<512x512xf32>
    %jit3A_114 = arith.constant 0.000000e+00 : f32
    %broadcast_in_dim3A_115 = vector.broadcast %jit3A_114 : f32 to vector<512x512xf32>
    %select_n3A_116 = arith.select %ge3A_113, %add3A_93, %broadcast_in_dim3A_115 : vector<512x512xi1>, vector<512x512xf32>
    %reduce_sum3A_117 = arith.constant dense<0.000000e+00> : vector<512xf32>
    %reduce_sum3A_118 = vector.multi_reduction <add>, %select_n3A_116, %reduce_sum3A_117 [1] : vector<512x512xf32> to vector<512xf32>
    %broadcast_in_dim3A_119 = vector.shape_cast %reduce_sum3A_118 : vector<512xf32> to vector<512x1xf32>
    %sub3A_120 = arith.subf %broadcast_in_dim3A_119, %broadcast_in_dim3A_103 : vector<512x1xf32>
    %jit3A_121 = arith.constant -1.000000e+30 : f32
    %broadcast_in_dim3A_122 = vector.broadcast %jit3A_121 : f32 to vector<512x512xf32>
    %select_n3A_123 = arith.select %ge3A_113, %broadcast_in_dim3A_122, %select_n3A_81 : vector<512x512xi1>, vector<512x512xf32>
    %reduce_max3A_124 = arith.constant dense<0xFF800000> : vector<512xf32>
    %reduce_max3A_125 = vector.multi_reduction <maximumf>, %select_n3A_123, %reduce_max3A_124 [1] : vector<512x512xf32> to vector<512xf32>
    %broadcast_in_dim3A_126 = vector.shape_cast %reduce_max3A_125 : vector<512xf32> to vector<512x1xf32>
    %ge3A_127 = vector.broadcast %broadcast_in_dim3A_126 : vector<512x1xf32> to vector<512x512xf32>
    %ge3A_128 = arith.cmpf oge, %select_n3A_81, %ge3A_127 : vector<512x512xf32>
    %jit3A_129 = arith.constant 0.000000e+00 : f32
    %broadcast_in_dim3A_130 = vector.broadcast %jit3A_129 : f32 to vector<512x512xf32>
    %select_n3A_131 = arith.select %ge3A_128, %add3A_93, %broadcast_in_dim3A_130 : vector<512x512xi1>, vector<512x512xf32>
    %reduce_sum3A_132 = arith.constant dense<0.000000e+00> : vector<512xf32>
    %reduce_sum3A_133 = vector.multi_reduction <add>, %select_n3A_131, %reduce_sum3A_132 [1] : vector<512x512xf32> to vector<512xf32>
    %broadcast_in_dim3A_134 = vector.shape_cast %reduce_sum3A_133 : vector<512xf32> to vector<512x1xf32>
    %sub3A_135 = arith.subf %broadcast_in_dim3A_134, %broadcast_in_dim3A_119 : vector<512x1xf32>
    %jit3A_136 = arith.constant -1.000000e+30 : f32
    %broadcast_in_dim3A_137 = vector.broadcast %jit3A_136 : f32 to vector<512x512xf32>
    %select_n3A_138 = arith.select %ge3A_128, %broadcast_in_dim3A_137, %select_n3A_81 : vector<512x512xi1>, vector<512x512xf32>
    %reduce_max3A_139 = arith.constant dense<0xFF800000> : vector<512xf32>
    %reduce_max3A_140 = vector.multi_reduction <maximumf>, %select_n3A_138, %reduce_max3A_139 [1] : vector<512x512xf32> to vector<512xf32>
    %broadcast_in_dim3A_141 = vector.shape_cast %reduce_max3A_140 : vector<512xf32> to vector<512x1xf32>
    %ge3A_142 = vector.broadcast %broadcast_in_dim3A_141 : vector<512x1xf32> to vector<512x512xf32>
    %ge3A_143 = arith.cmpf oge, %select_n3A_81, %ge3A_142 : vector<512x512xf32>
    %jit3A_144 = arith.constant 0.000000e+00 : f32
    %broadcast_in_dim3A_145 = vector.broadcast %jit3A_144 : f32 to vector<512x512xf32>
    %select_n3A_146 = arith.select %ge3A_143, %add3A_93, %broadcast_in_dim3A_145 : vector<512x512xi1>, vector<512x512xf32>
    %reduce_sum3A_147 = arith.constant dense<0.000000e+00> : vector<512xf32>
    %reduce_sum3A_148 = vector.multi_reduction <add>, %select_n3A_146, %reduce_sum3A_147 [1] : vector<512x512xf32> to vector<512xf32>
    %broadcast_in_dim3A_149 = vector.shape_cast %reduce_sum3A_148 : vector<512xf32> to vector<512x1xf32>
    %sub3A_150 = arith.subf %broadcast_in_dim3A_149, %broadcast_in_dim3A_134 : vector<512x1xf32>
    %jit3A_151 = arith.constant -1.000000e+30 : f32
    %broadcast_in_dim3A_152 = vector.broadcast %jit3A_151 : f32 to vector<512x512xf32>
    %select_n3A_153 = arith.select %ge3A_143, %broadcast_in_dim3A_152, %select_n3A_81 : vector<512x512xi1>, vector<512x512xf32>
    %reduce_max3A_154 = arith.constant dense<0xFF800000> : vector<512xf32>
    %reduce_max3A_155 = vector.multi_reduction <maximumf>, %select_n3A_153, %reduce_max3A_154 [1] : vector<512x512xf32> to vector<512xf32>
    %broadcast_in_dim3A_156 = vector.shape_cast %reduce_max3A_155 : vector<512xf32> to vector<512x1xf32>
    %ge3A_157 = vector.broadcast %broadcast_in_dim3A_156 : vector<512x1xf32> to vector<512x512xf32>
    %ge3A_158 = arith.cmpf oge, %select_n3A_81, %ge3A_157 : vector<512x512xf32>
    %jit3A_159 = arith.constant 0.000000e+00 : f32
    %broadcast_in_dim3A_160 = vector.broadcast %jit3A_159 : f32 to vector<512x512xf32>
    %select_n3A_161 = arith.select %ge3A_158, %add3A_93, %broadcast_in_dim3A_160 : vector<512x512xi1>, vector<512x512xf32>
    %reduce_sum3A_162 = arith.constant dense<0.000000e+00> : vector<512xf32>
    %reduce_sum3A_163 = vector.multi_reduction <add>, %select_n3A_161, %reduce_sum3A_162 [1] : vector<512x512xf32> to vector<512xf32>
    %broadcast_in_dim3A_164 = vector.shape_cast %reduce_sum3A_163 : vector<512xf32> to vector<512x1xf32>
    %sub3A_165 = arith.subf %broadcast_in_dim3A_164, %broadcast_in_dim3A_149 : vector<512x1xf32>
    %jit3A_166 = arith.constant -1.000000e+30 : f32
    %broadcast_in_dim3A_167 = vector.broadcast %jit3A_166 : f32 to vector<512x512xf32>
    %select_n3A_168 = arith.select %ge3A_158, %broadcast_in_dim3A_167, %select_n3A_81 : vector<512x512xi1>, vector<512x512xf32>
    %reduce_max3A_169 = arith.constant dense<0xFF800000> : vector<512xf32>
    %reduce_max3A_170 = vector.multi_reduction <maximumf>, %select_n3A_168, %reduce_max3A_169 [1] : vector<512x512xf32> to vector<512xf32>
    %broadcast_in_dim3A_171 = vector.shape_cast %reduce_max3A_170 : vector<512xf32> to vector<512x1xf32>
    %ge3A_172 = vector.broadcast %broadcast_in_dim3A_171 : vector<512x1xf32> to vector<512x512xf32>
    %ge3A_173 = arith.cmpf oge, %select_n3A_81, %ge3A_172 : vector<512x512xf32>
    %jit3A_174 = arith.constant 0.000000e+00 : f32
    %broadcast_in_dim3A_175 = vector.broadcast %jit3A_174 : f32 to vector<512x512xf32>
    %select_n3A_176 = arith.select %ge3A_173, %add3A_93, %broadcast_in_dim3A_175 : vector<512x512xi1>, vector<512x512xf32>
    %reduce_sum3A_177 = arith.constant dense<0.000000e+00> : vector<512xf32>
    %reduce_sum3A_178 = vector.multi_reduction <add>, %select_n3A_176, %reduce_sum3A_177 [1] : vector<512x512xf32> to vector<512xf32>
    %broadcast_in_dim3A_179 = vector.shape_cast %reduce_sum3A_178 : vector<512xf32> to vector<512x1xf32>
    %sub3A_180 = arith.subf %broadcast_in_dim3A_179, %broadcast_in_dim3A_164 : vector<512x1xf32>
    %concatenate3A_181 = tpu.concatenate %broadcast_in_dim3A_96, %broadcast_in_dim3A_111, %broadcast_in_dim3A_126, %broadcast_in_dim3A_141, %broadcast_in_dim3A_156, %broadcast_in_dim3A_171 in 1 : vector<512x1xf32>, vector<512x1xf32>, vector<512x1xf32>, vector<512x1xf32>, vector<512x1xf32>, vector<512x1xf32> -> vector<512x6xf32>
    %concatenate3A_182 = tpu.concatenate %sub3A_105, %sub3A_120, %sub3A_135, %sub3A_150, %sub3A_165, %sub3A_180 in 1 : vector<512x1xf32>, vector<512x1xf32>, vector<512x1xf32>, vector<512x1xf32>, vector<512x1xf32>, vector<512x1xf32> -> vector<512x6xf32>
    %eq3A_183 = arith.constant 0 : i32
    %eq3A_184 = arith.cmpi eq, %arg0, %eq3A_183 : i32
    %convert_element_type3A_185 = arith.extui %eq3A_184 : i1 to i32
    %cond3A_186 = arith.constant 0 : i32
    %cond3A_187 = arith.cmpi ne, %convert_element_type3A_185, %cond3A_186 : i32
    scf.if %cond3A_187 {
      %broadcast_in_dim3A_198 = arith.constant -1.000000e+30 : f32
      %broadcast_in_dim3A_199 = vector.broadcast %broadcast_in_dim3A_198 : f32 to vector<512x2xf32>
      %concatenate3A_200 = tpu.concatenate %concatenate3A_181, %broadcast_in_dim3A_199 in 1 : vector<512x6xf32>, vector<512x2xf32> -> vector<512x8xf32>
      %swap3A_201 = arith.constant 0 : index
      %swap3A_202 = arith.constant 0 : index
      %swap3A_203 = vector.load %arg14[%swap3A_201, %swap3A_202] : memref<512x8xf32, #tpu.memory_space<vmem>>, vector<512x8xf32>
      tpu.vector_store %arg14[%swap3A_201, %swap3A_202], %concatenate3A_200 {strides = array<i32>} : memref<512x8xf32, #tpu.memory_space<vmem>>, vector<512x8xf32>,
      %broadcast_in_dim3A_204 = arith.constant 1.000000e+09 : f32
      %broadcast_in_dim3A_205 = vector.broadcast %broadcast_in_dim3A_204 : f32 to vector<512x2xf32>
      %concatenate3A_206 = tpu.concatenate %concatenate3A_182, %broadcast_in_dim3A_205 in 1 : vector<512x6xf32>, vector<512x2xf32> -> vector<512x8xf32>
      %swap3A_207 = arith.constant 0 : index
      %swap3A_208 = arith.constant 0 : index
      %swap3A_209 = vector.load %arg15[%swap3A_207, %swap3A_208] : memref<512x8xf32, #tpu.memory_space<vmem>>, vector<512x8xf32>
      tpu.vector_store %arg15[%swap3A_207, %swap3A_208], %concatenate3A_206 {strides = array<i32>} : memref<512x8xf32, #tpu.memory_space<vmem>>, vector<512x8xf32>,
    } else {
    }
    %gt3A_188 = arith.constant 0 : i32
    %gt3A_189 = arith.cmpi sgt, %arg0, %gt3A_188 : i32
    %convert_element_type3A_190 = arith.extui %gt3A_189 : i1 to i32
    %cond3A_191 = arith.constant 0 : i32
    %cond3A_192 = arith.cmpi ne, %convert_element_type3A_190, %cond3A_191 : i32
    scf.if %cond3A_192 {
      %get3A_198 = arith.constant 0 : index
      %get3A_199 = arith.constant 0 : index
      %get3A_200 = vector.load %arg14[%get3A_198, %get3A_199] : memref<512x8xf32, #tpu.memory_space<vmem>>, vector<512x8xf32>
      %concatenate3A_201 = tpu.concatenate %get3A_200, %concatenate3A_181 in 1 : vector<512x8xf32>, vector<512x6xf32> -> vector<512x14xf32>
      %get3A_202 = arith.constant 0 : index
      %get3A_203 = arith.constant 0 : index
      %get3A_204 = vector.load %arg15[%get3A_202, %get3A_203] : memref<512x8xf32, #tpu.memory_space<vmem>>, vector<512x8xf32>
      %concatenate3A_205 = tpu.concatenate %get3A_204, %concatenate3A_182 in 1 : vector<512x8xf32>, vector<512x6xf32> -> vector<512x14xf32>
      %reduce_max3A_206 = arith.constant dense<0xFF800000> : vector<512xf32>
      %reduce_max3A_207 = vector.multi_reduction <maximumf>, %concatenate3A_201, %reduce_max3A_206 [1] : vector<512x14xf32> to vector<512xf32>
      %broadcast_in_dim3A_208 = vector.shape_cast %reduce_max3A_207 : vector<512xf32> to vector<512x1xf32>
      %ge3A_209 = vector.broadcast %broadcast_in_dim3A_208 : vector<512x1xf32> to vector<512x14xf32>
      %ge3A_210 = arith.cmpf oge, %concatenate3A_201, %ge3A_209 : vector<512x14xf32>
      %jit3A_211 = arith.constant 0.000000e+00 : f32
      %broadcast_in_dim3A_212 = vector.broadcast %jit3A_211 : f32 to vector<512x14xf32>
      %select_n3A_213 = arith.select %ge3A_210, %concatenate3A_205, %broadcast_in_dim3A_212 : vector<512x14xi1>, vector<512x14xf32>
      %reduce_sum3A_214 = arith.constant dense<0.000000e+00> : vector<512xf32>
      %reduce_sum3A_215 = vector.multi_reduction <add>, %select_n3A_213, %reduce_sum3A_214 [1] : vector<512x14xf32> to vector<512xf32>
      %broadcast_in_dim3A_216 = vector.shape_cast %reduce_sum3A_215 : vector<512xf32> to vector<512x1xf32>
      %sub3A_217 = arith.constant 0.000000e+00 : f32
      %sub3A_218 = vector.broadcast %sub3A_217 : f32 to vector<512x1xf32>
      %sub3A_219 = arith.subf %broadcast_in_dim3A_216, %sub3A_218 : vector<512x1xf32>
      %jit3A_220 = arith.constant -1.000000e+30 : f32
      %broadcast_in_dim3A_221 = vector.broadcast %jit3A_220 : f32 to vector<512x14xf32>
      %select_n3A_222 = arith.select %ge3A_210, %broadcast_in_dim3A_221, %concatenate3A_201 : vector<512x14xi1>, vector<512x14xf32>
      %reduce_max3A_223 = arith.constant dense<0xFF800000> : vector<512xf32>
      %reduce_max3A_224 = vector.multi_reduction <maximumf>, %select_n3A_222, %reduce_max3A_223 [1] : vector<512x14xf32> to vector<512xf32>
      %broadcast_in_dim3A_225 = vector.shape_cast %reduce_max3A_224 : vector<512xf32> to vector<512x1xf32>
      %ge3A_226 = vector.broadcast %broadcast_in_dim3A_225 : vector<512x1xf32> to vector<512x14xf32>
      %ge3A_227 = arith.cmpf oge, %concatenate3A_201, %ge3A_226 : vector<512x14xf32>
      %jit3A_228 = arith.constant 0.000000e+00 : f32
      %broadcast_in_dim3A_229 = vector.broadcast %jit3A_228 : f32 to vector<512x14xf32>
      %select_n3A_230 = arith.select %ge3A_227, %concatenate3A_205, %broadcast_in_dim3A_229 : vector<512x14xi1>, vector<512x14xf32>
      %reduce_sum3A_231 = arith.constant dense<0.000000e+00> : vector<512xf32>
      %reduce_sum3A_232 = vector.multi_reduction <add>, %select_n3A_230, %reduce_sum3A_231 [1] : vector<512x14xf32> to vector<512xf32>
      %broadcast_in_dim3A_233 = vector.shape_cast %reduce_sum3A_232 : vector<512xf32> to vector<512x1xf32>
      %sub3A_234 = arith.subf %broadcast_in_dim3A_233, %broadcast_in_dim3A_216 : vector<512x1xf32>
      %jit3A_235 = arith.constant -1.000000e+30 : f32
      %broadcast_in_dim3A_236 = vector.broadcast %jit3A_235 : f32 to vector<512x14xf32>
      %select_n3A_237 = arith.select %ge3A_227, %broadcast_in_dim3A_236, %concatenate3A_201 : vector<512x14xi1>, vector<512x14xf32>
      %reduce_max3A_238 = arith.constant dense<0xFF800000> : vector<512xf32>
      %reduce_max3A_239 = vector.multi_reduction <maximumf>, %select_n3A_237, %reduce_max3A_238 [1] : vector<512x14xf32> to vector<512xf32>
      %broadcast_in_dim3A_240 = vector.shape_cast %reduce_max3A_239 : vector<512xf32> to vector<512x1xf32>
      %ge3A_241 = vector.broadcast %broadcast_in_dim3A_240 : vector<512x1xf32> to vector<512x14xf32>
      %ge3A_242 = arith.cmpf oge, %concatenate3A_201, %ge3A_241 : vector<512x14xf32>
      %jit3A_243 = arith.constant 0.000000e+00 : f32
      %broadcast_in_dim3A_244 = vector.broadcast %jit3A_243 : f32 to vector<512x14xf32>
      %select_n3A_245 = arith.select %ge3A_242, %concatenate3A_205, %broadcast_in_dim3A_244 : vector<512x14xi1>, vector<512x14xf32>
      %reduce_sum3A_246 = arith.constant dense<0.000000e+00> : vector<512xf32>
      %reduce_sum3A_247 = vector.multi_reduction <add>, %select_n3A_245, %reduce_sum3A_246 [1] : vector<512x14xf32> to vector<512xf32>
      %broadcast_in_dim3A_248 = vector.shape_cast %reduce_sum3A_247 : vector<512xf32> to vector<512x1xf32>
      %sub3A_249 = arith.subf %broadcast_in_dim3A_248, %broadcast_in_dim3A_233 : vector<512x1xf32>
      %jit3A_250 = arith.constant -1.000000e+30 : f32
      %broadcast_in_dim3A_251 = vector.broadcast %jit3A_250 : f32 to vector<512x14xf32>
      %select_n3A_252 = arith.select %ge3A_242, %broadcast_in_dim3A_251, %concatenate3A_201 : vector<512x14xi1>, vector<512x14xf32>
      %reduce_max3A_253 = arith.constant dense<0xFF800000> : vector<512xf32>
      %reduce_max3A_254 = vector.multi_reduction <maximumf>, %select_n3A_252, %reduce_max3A_253 [1] : vector<512x14xf32> to vector<512xf32>
      %broadcast_in_dim3A_255 = vector.shape_cast %reduce_max3A_254 : vector<512xf32> to vector<512x1xf32>
      %ge3A_256 = vector.broadcast %broadcast_in_dim3A_255 : vector<512x1xf32> to vector<512x14xf32>
      %ge3A_257 = arith.cmpf oge, %concatenate3A_201, %ge3A_256 : vector<512x14xf32>
      %jit3A_258 = arith.constant 0.000000e+00 : f32
      %broadcast_in_dim3A_259 = vector.broadcast %jit3A_258 : f32 to vector<512x14xf32>
      %select_n3A_260 = arith.select %ge3A_257, %concatenate3A_205, %broadcast_in_dim3A_259 : vector<512x14xi1>, vector<512x14xf32>
      %reduce_sum3A_261 = arith.constant dense<0.000000e+00> : vector<512xf32>
      %reduce_sum3A_262 = vector.multi_reduction <add>, %select_n3A_260, %reduce_sum3A_261 [1] : vector<512x14xf32> to vector<512xf32>
      %broadcast_in_dim3A_263 = vector.shape_cast %reduce_sum3A_262 : vector<512xf32> to vector<512x1xf32>
      %sub3A_264 = arith.subf %broadcast_in_dim3A_263, %broadcast_in_dim3A_248 : vector<512x1xf32>
      %jit3A_265 = arith.constant -1.000000e+30 : f32
      %broadcast_in_dim3A_266 = vector.broadcast %jit3A_265 : f32 to vector<512x14xf32>
      %select_n3A_267 = arith.select %ge3A_257, %broadcast_in_dim3A_266, %concatenate3A_201 : vector<512x14xi1>, vector<512x14xf32>
      %reduce_max3A_268 = arith.constant dense<0xFF800000> : vector<512xf32>
      %reduce_max3A_269 = vector.multi_reduction <maximumf>, %select_n3A_267, %reduce_max3A_268 [1] : vector<512x14xf32> to vector<512xf32>
      %broadcast_in_dim3A_270 = vector.shape_cast %reduce_max3A_269 : vector<512xf32> to vector<512x1xf32>
      %ge3A_271 = vector.broadcast %broadcast_in_dim3A_270 : vector<512x1xf32> to vector<512x14xf32>
      %ge3A_272 = arith.cmpf oge, %concatenate3A_201, %ge3A_271 : vector<512x14xf32>
      %jit3A_273 = arith.constant 0.000000e+00 : f32
      %broadcast_in_dim3A_274 = vector.broadcast %jit3A_273 : f32 to vector<512x14xf32>
      %select_n3A_275 = arith.select %ge3A_272, %concatenate3A_205, %broadcast_in_dim3A_274 : vector<512x14xi1>, vector<512x14xf32>
      %reduce_sum3A_276 = arith.constant dense<0.000000e+00> : vector<512xf32>
      %reduce_sum3A_277 = vector.multi_reduction <add>, %select_n3A_275, %reduce_sum3A_276 [1] : vector<512x14xf32> to vector<512xf32>
      %broadcast_in_dim3A_278 = vector.shape_cast %reduce_sum3A_277 : vector<512xf32> to vector<512x1xf32>
      %sub3A_279 = arith.subf %broadcast_in_dim3A_278, %broadcast_in_dim3A_263 : vector<512x1xf32>
      %jit3A_280 = arith.constant -1.000000e+30 : f32
      %broadcast_in_dim3A_281 = vector.broadcast %jit3A_280 : f32 to vector<512x14xf32>
      %select_n3A_282 = arith.select %ge3A_272, %broadcast_in_dim3A_281, %concatenate3A_201 : vector<512x14xi1>, vector<512x14xf32>
      %reduce_max3A_283 = arith.constant dense<0xFF800000> : vector<512xf32>
      %reduce_max3A_284 = vector.multi_reduction <maximumf>, %select_n3A_282, %reduce_max3A_283 [1] : vector<512x14xf32> to vector<512xf32>
      %broadcast_in_dim3A_285 = vector.shape_cast %reduce_max3A_284 : vector<512xf32> to vector<512x1xf32>
      %ge3A_286 = vector.broadcast %broadcast_in_dim3A_285 : vector<512x1xf32> to vector<512x14xf32>
      %ge3A_287 = arith.cmpf oge, %concatenate3A_201, %ge3A_286 : vector<512x14xf32>
      %jit3A_288 = arith.constant 0.000000e+00 : f32
      %broadcast_in_dim3A_289 = vector.broadcast %jit3A_288 : f32 to vector<512x14xf32>
      %select_n3A_290 = arith.select %ge3A_287, %concatenate3A_205, %broadcast_in_dim3A_289 : vector<512x14xi1>, vector<512x14xf32>
      %reduce_sum3A_291 = arith.constant dense<0.000000e+00> : vector<512xf32>
      %reduce_sum3A_292 = vector.multi_reduction <add>, %select_n3A_290, %reduce_sum3A_291 [1] : vector<512x14xf32> to vector<512xf32>
      %broadcast_in_dim3A_293 = vector.shape_cast %reduce_sum3A_292 : vector<512xf32> to vector<512x1xf32>
      %sub3A_294 = arith.subf %broadcast_in_dim3A_293, %broadcast_in_dim3A_278 : vector<512x1xf32>
      %concatenate3A_295 = tpu.concatenate %broadcast_in_dim3A_208, %broadcast_in_dim3A_225, %broadcast_in_dim3A_240, %broadcast_in_dim3A_255, %broadcast_in_dim3A_270, %broadcast_in_dim3A_285 in 1 : vector<512x1xf32>, vector<512x1xf32>, vector<512x1xf32>, vector<512x1xf32>, vector<512x1xf32>, vector<512x1xf32> -> vector<512x6xf32>
      %concatenate3A_296 = tpu.concatenate %sub3A_219, %sub3A_234, %sub3A_249, %sub3A_264, %sub3A_279, %sub3A_294 in 1 : vector<512x1xf32>, vector<512x1xf32>, vector<512x1xf32>, vector<512x1xf32>, vector<512x1xf32>, vector<512x1xf32> -> vector<512x6xf32>
      %swap3A_297 = arith.constant 0 : index
      %swap3A_298 = arith.constant 0 : index
      %swap3A_299 = vector.load %arg14[%swap3A_297, %swap3A_298] : memref<512x8xf32, #tpu.memory_space<vmem>>, vector<512x6xf32>
      tpu.vector_store %arg14[%swap3A_297, %swap3A_298], %concatenate3A_295 {strides = array<i32>} : memref<512x8xf32, #tpu.memory_space<vmem>>, vector<512x6xf32>,
      %swap3A_300 = arith.constant 0 : index
      %swap3A_301 = arith.constant 0 : index
      %swap3A_302 = vector.load %arg15[%swap3A_300, %swap3A_301] : memref<512x8xf32, #tpu.memory_space<vmem>>, vector<512x6xf32>
      tpu.vector_store %arg15[%swap3A_300, %swap3A_301], %concatenate3A_296 {strides = array<i32>} : memref<512x8xf32, #tpu.memory_space<vmem>>, vector<512x6xf32>,
    } else {
    }
    %eq3A_193 = arith.constant 9 : i32
    %eq3A_194 = arith.cmpi eq, %arg0, %eq3A_193 : i32
    %convert_element_type3A_195 = arith.extui %eq3A_194 : i1 to i32
    %cond3A_196 = arith.constant 0 : i32
    %cond3A_197 = arith.cmpi ne, %convert_element_type3A_195, %cond3A_196 : i32
    scf.if %cond3A_197 {
      %get3A_198 = arith.constant 0 : index
      %get3A_199 = arith.constant 0 : index
      %get3A_200 = vector.load %arg15[%get3A_198, %get3A_199] : memref<512x8xf32, #tpu.memory_space<vmem>>, vector<512x6xf32>
      %jit3A_201 = arith.constant 0.000000e+00 : f32
      %jit3A_202 = arith.constant 1.999900e+04 : f32
      %max3A = vector.broadcast %jit3A_201 : f32 to vector<512x6xf32>
      %max3A_203 = arith.maximumf %max3A, %get3A_200 : vector<512x6xf32>
      %min3A = vector.broadcast %jit3A_202 : f32 to vector<512x6xf32>
      %min3A_204 = arith.minimumf %min3A, %max3A_203 : vector<512x6xf32>
      %convert_element_type3A_205 = arith.fptosi %min3A_204 : vector<512x6xf32> to vector<512x6xi32>
      %swap3A_206 = arith.constant 0 : index
      %swap3A_207 = arith.constant 0 : index
      %swap3A_208 = vector.load %arg10[%swap3A_206, %swap3A_207] : memref<512x6xi32, #tpu.memory_space<vmem>>, vector<512x6xi32>
      tpu.vector_store %arg10[%swap3A_206, %swap3A_207], %convert_element_type3A_205 {strides = array<i32>} : memref<512x6xi32, #tpu.memory_space<vmem>>, vector<512x6xi32>,
    } else {
    }
    return
  }
  func.func @transform_0(%arg0: i32) -> (i32, i32) {
    %c0_i32 = arith.constant 0 : i32
    %c0_i32_0 = arith.constant 0 : i32
    %c0_i32_1 = arith.constant 0 : i32
    return %c0_i32, %c0_i32_0 : i32, i32
  }
  func.func @transform_1(%arg0: i32) -> (i32, i32) {
    %c0_i32 = arith.constant 0 : i32
    %c0_i32_0 = arith.constant 0 : i32
    %c0_i32_1 = arith.constant 0 : i32
    return %c0_i32, %c0_i32_0 : i32, i32
  }
  func.func @transform_2(%arg0: i32) -> (i32, i32) {
    %c0_i32 = arith.constant 0 : i32
    %c0_i32_0 = arith.constant 0 : i32
    return %arg0, %c0_i32 : i32, i32
  }
  func.func @transform_3(%arg0: i32) -> (i32, i32) {
    %c0_i32 = arith.constant 0 : i32
    %c0_i32_0 = arith.constant 0 : i32
    return %arg0, %c0_i32 : i32, i32
  }
  func.func @transform_4(%arg0: i32) -> (i32, i32) {
    %c0_i32 = arith.constant 0 : i32
    %c0_i32_0 = arith.constant 0 : i32
    %c0_i32_1 = arith.constant 0 : i32
    return %c0_i32, %c0_i32_0 : i32, i32
  }
  func.func @transform_5(%arg0: i32) -> (i32, i32) {
    %c0_i32 = arith.constant 0 : i32
    %c0_i32_0 = arith.constant 0 : i32
    %c0_i32_1 = arith.constant 0 : i32
    return %c0_i32, %c0_i32_0 : i32, i32
  }
  func.func @transform_6(%arg0: i32) -> (i32, i32) {
    %c0_i32 = arith.constant 0 : i32
    %c0_i32_0 = arith.constant 0 : i32
    return %arg0, %c0_i32 : i32, i32
  }
  func.func @transform_7(%arg0: i32) -> (i32, i32) {
    %c0_i32 = arith.constant 0 : i32
    %c0_i32_0 = arith.constant 0 : i32
    return %arg0, %c0_i32 : i32, i32
  }
  func.func @transform_8(%arg0: i32) -> (i32, i32) {
    %c0_i32 = arith.constant 0 : i32
    %c0_i32_0 = arith.constant 0 : i32
    %c0_i32_1 = arith.constant 0 : i32
    return %c0_i32, %c0_i32_0 : i32, i32
  }
  func.func @transform_9(%arg0: i32) -> (i32, i32) {
    %c0_i32 = arith.constant 0 : i32
    %c0_i32_0 = arith.constant 0 : i32
    %c0_i32_1 = arith.constant 0 : i32
    return %c0_i32, %c0_i32_0 : i32, i32
  }
}

module attributes {stable_mosaic.version = 14 : i64} {
  func.func @_kernel_b(%arg0: i32, %arg1: memref<2560x128xf32, #tpu.memory_space<vmem>>, %arg2: memref<2048x128xf32, #tpu.memory_space<vmem>>, %arg3: memref<2560x6xi32, #tpu.memory_space<vmem>>, %arg4: memref<2560x8xf32, #tpu.memory_space<vmem>>, %arg5: memref<2560x8xf32, #tpu.memory_space<vmem>>) attributes {dimension_semantics = [#tpu.dimension_semantics<arbitrary>], iteration_bounds = array<i64: 10>, scalar_prefetch = 0 : i64, scratch_operands = 2 : i64, tpu.core_type = #tpu.core_type<tc>, window_params = [{pipeline_mode = #tpu.pipeline_mode<synchronous>, transform_indices = @transform_0, window_bounds = array<i64: 2560, 128>}, {transform_indices = @transform_1, window_bounds = array<i64: 2048, 128>}, {pipeline_mode = #tpu.pipeline_mode<synchronous>, transform_indices = @transform_2, window_bounds = array<i64: 2560, 6>}]} {
    %get3A = arith.constant 0 : index
    %get3A_0 = arith.constant 0 : index
    %get3A_1 = vector.load %arg1[%get3A, %get3A_0] : memref<2560x128xf32, #tpu.memory_space<vmem>>, vector<2560x128xf32>
    %get3A_2 = arith.constant 0 : index
    %get3A_3 = arith.constant 0 : index
    %get3A_4 = vector.load %arg2[%get3A_2, %get3A_3] : memref<2048x128xf32, #tpu.memory_space<vmem>>, vector<2048x128xf32>
    %dot_general3A = arith.constant dense<0.000000e+00> : vector<2560x2048xf32>
    %dot_general3A_5 = tpu.matmul %get3A_1, %get3A_4, %dot_general3A {dimension_numbers = #tpu.dot_dimension_numbers<[1], [1], [0], [0], [0, 0, 1, 0], [], []>, transpose_lhs_hint = false} : vector<2560x128xf32>, vector<2048x128xf32>, vector<2560x2048xf32> -> vector<2560x2048xf32>
    %mul3A = arith.constant 2048 : i32
    %mul3A_6 = arith.muli %arg0, %mul3A : i32
    %iota3A = tpu.iota {dimensions = array<i32: 1>} : vector<1x2048xi32>
    %add3A = vector.broadcast %mul3A_6 : i32 to vector<1x2048xi32>
    %add3A_7 = arith.addi %iota3A, %add3A : vector<1x2048xi32>
    %ge3A = arith.constant 20000 : i32
    %ge3A_8 = vector.broadcast %ge3A : i32 to vector<1x2048xi32>
    %ge3A_9 = arith.cmpi sge, %add3A_7, %ge3A_8 : vector<1x2048xi32>
    %jit3A = arith.constant -1.000000e+30 : f32
    %jit3A_10 = arith.constant 0.000000e+00 : f32
    %broadcast_in_dim3A = vector.broadcast %jit3A : f32 to vector<1x2048xf32>
    %broadcast_in_dim3A_11 = vector.broadcast %jit3A_10 : f32 to vector<1x2048xf32>
    %select_n3A = arith.select %ge3A_9, %broadcast_in_dim3A, %broadcast_in_dim3A_11 : vector<1x2048xi1>, vector<1x2048xf32>
    %add3A_12 = vector.broadcast %select_n3A : vector<1x2048xf32> to vector<2560x2048xf32>
    %add3A_13 = arith.addf %dot_general3A_5, %add3A_12 : vector<2560x2048xf32>
    %convert_element_type3A = arith.sitofp %mul3A_6 : i32 to f32
    %slice3A = vector.extract_strided_slice %add3A_13 {offsets = [0, 0], sizes = [2560, 1024], strides = [1, 1]} : vector<2560x2048xf32> to vector<2560x1024xf32>
    %slice3A_14 = vector.extract_strided_slice %add3A_13 {offsets = [0, 1024], sizes = [2560, 1024], strides = [1, 1]} : vector<2560x2048xf32> to vector<2560x1024xf32>
    %gt3A = arith.cmpf ogt, %slice3A_14, %slice3A : vector<2560x1024xf32>
    %select_n3A_15 = arith.select %gt3A, %slice3A_14, %slice3A : vector<2560x1024xi1>, vector<2560x1024xf32>
    %jit3A_16 = arith.constant 1.024000e+03 : f32
    %jit3A_17 = arith.constant 0.000000e+00 : f32
    %broadcast_in_dim3A_18 = vector.broadcast %jit3A_16 : f32 to vector<2560x1024xf32>
    %broadcast_in_dim3A_19 = vector.broadcast %jit3A_17 : f32 to vector<2560x1024xf32>
    %select_n3A_20 = arith.select %gt3A, %broadcast_in_dim3A_18, %broadcast_in_dim3A_19 : vector<2560x1024xi1>, vector<2560x1024xf32>
    %slice3A_21 = vector.extract_strided_slice %select_n3A_15 {offsets = [0, 0], sizes = [2560, 512], strides = [1, 1]} : vector<2560x1024xf32> to vector<2560x512xf32>
    %slice3A_22 = vector.extract_strided_slice %select_n3A_15 {offsets = [0, 512], sizes = [2560, 512], strides = [1, 1]} : vector<2560x1024xf32> to vector<2560x512xf32>
    %gt3A_23 = arith.cmpf ogt, %slice3A_22, %slice3A_21 : vector<2560x512xf32>
    %select_n3A_24 = arith.select %gt3A_23, %slice3A_22, %slice3A_21 : vector<2560x512xi1>, vector<2560x512xf32>
    %iota3A_25 = tpu.iota {dimensions = array<i32: 1>} : vector<1x512xi32>
    %convert_element_type3A_26 = arith.sitofp %iota3A_25 : vector<1x512xi32> to vector<1x512xf32>
    %add3A_27 = vector.broadcast %convert_element_type3A : f32 to vector<1x512xf32>
    %add3A_28 = arith.addf %convert_element_type3A_26, %add3A_27 : vector<1x512xf32>
    %slice3A_29 = vector.extract_strided_slice %select_n3A_20 {offsets = [0, 512], sizes = [2560, 512], strides = [1, 1]} : vector<2560x1024xf32> to vector<2560x512xf32>
    %add3A_30 = arith.constant 5.120000e+02 : f32
    %add3A_31 = vector.broadcast %add3A_30 : f32 to vector<2560x512xf32>
    %add3A_32 = arith.addf %slice3A_29, %add3A_31 : vector<2560x512xf32>
    %slice3A_33 = vector.extract_strided_slice %select_n3A_20 {offsets = [0, 0], sizes = [2560, 512], strides = [1, 1]} : vector<2560x1024xf32> to vector<2560x512xf32>
    %select_n3A_34 = arith.select %gt3A_23, %add3A_32, %slice3A_33 : vector<2560x512xi1>, vector<2560x512xf32>
    %add3A_35 = vector.broadcast %add3A_28 : vector<1x512xf32> to vector<2560x512xf32>
    %add3A_36 = arith.addf %add3A_35, %select_n3A_34 : vector<2560x512xf32>
    %reduce_max3A = arith.constant dense<0xFF800000> : vector<2560xf32>
    %reduce_max3A_37 = vector.multi_reduction <maximumf>, %select_n3A_24, %reduce_max3A [1] : vector<2560x512xf32> to vector<2560xf32>
    %broadcast_in_dim3A_38 = vector.shape_cast %reduce_max3A_37 : vector<2560xf32> to vector<2560x1xf32>
    %ge3A_39 = vector.broadcast %broadcast_in_dim3A_38 : vector<2560x1xf32> to vector<2560x512xf32>
    %ge3A_40 = arith.cmpf oge, %select_n3A_24, %ge3A_39 : vector<2560x512xf32>
    %jit3A_41 = arith.constant 0.000000e+00 : f32
    %broadcast_in_dim3A_42 = vector.broadcast %jit3A_41 : f32 to vector<2560x512xf32>
    %select_n3A_43 = arith.select %ge3A_40, %add3A_36, %broadcast_in_dim3A_42 : vector<2560x512xi1>, vector<2560x512xf32>
    %reduce_sum3A = arith.constant dense<0.000000e+00> : vector<2560xf32>
    %reduce_sum3A_44 = vector.multi_reduction <add>, %select_n3A_43, %reduce_sum3A [1] : vector<2560x512xf32> to vector<2560xf32>
    %broadcast_in_dim3A_45 = vector.shape_cast %reduce_sum3A_44 : vector<2560xf32> to vector<2560x1xf32>
    %sub3A = arith.constant 0.000000e+00 : f32
    %sub3A_46 = vector.broadcast %sub3A : f32 to vector<2560x1xf32>
    %sub3A_47 = arith.subf %broadcast_in_dim3A_45, %sub3A_46 : vector<2560x1xf32>
    %jit3A_48 = arith.constant -1.000000e+30 : f32
    %broadcast_in_dim3A_49 = vector.broadcast %jit3A_48 : f32 to vector<2560x512xf32>
    %select_n3A_50 = arith.select %ge3A_40, %broadcast_in_dim3A_49, %select_n3A_24 : vector<2560x512xi1>, vector<2560x512xf32>
    %reduce_max3A_51 = arith.constant dense<0xFF800000> : vector<2560xf32>
    %reduce_max3A_52 = vector.multi_reduction <maximumf>, %select_n3A_50, %reduce_max3A_51 [1] : vector<2560x512xf32> to vector<2560xf32>
    %broadcast_in_dim3A_53 = vector.shape_cast %reduce_max3A_52 : vector<2560xf32> to vector<2560x1xf32>
    %ge3A_54 = vector.broadcast %broadcast_in_dim3A_53 : vector<2560x1xf32> to vector<2560x512xf32>
    %ge3A_55 = arith.cmpf oge, %select_n3A_24, %ge3A_54 : vector<2560x512xf32>
    %jit3A_56 = arith.constant 0.000000e+00 : f32
    %broadcast_in_dim3A_57 = vector.broadcast %jit3A_56 : f32 to vector<2560x512xf32>
    %select_n3A_58 = arith.select %ge3A_55, %add3A_36, %broadcast_in_dim3A_57 : vector<2560x512xi1>, vector<2560x512xf32>
    %reduce_sum3A_59 = arith.constant dense<0.000000e+00> : vector<2560xf32>
    %reduce_sum3A_60 = vector.multi_reduction <add>, %select_n3A_58, %reduce_sum3A_59 [1] : vector<2560x512xf32> to vector<2560xf32>
    %broadcast_in_dim3A_61 = vector.shape_cast %reduce_sum3A_60 : vector<2560xf32> to vector<2560x1xf32>
    %sub3A_62 = arith.subf %broadcast_in_dim3A_61, %broadcast_in_dim3A_45 : vector<2560x1xf32>
    %jit3A_63 = arith.constant -1.000000e+30 : f32
    %broadcast_in_dim3A_64 = vector.broadcast %jit3A_63 : f32 to vector<2560x512xf32>
    %select_n3A_65 = arith.select %ge3A_55, %broadcast_in_dim3A_64, %select_n3A_24 : vector<2560x512xi1>, vector<2560x512xf32>
    %reduce_max3A_66 = arith.constant dense<0xFF800000> : vector<2560xf32>
    %reduce_max3A_67 = vector.multi_reduction <maximumf>, %select_n3A_65, %reduce_max3A_66 [1] : vector<2560x512xf32> to vector<2560xf32>
    %broadcast_in_dim3A_68 = vector.shape_cast %reduce_max3A_67 : vector<2560xf32> to vector<2560x1xf32>
    %ge3A_69 = vector.broadcast %broadcast_in_dim3A_68 : vector<2560x1xf32> to vector<2560x512xf32>
    %ge3A_70 = arith.cmpf oge, %select_n3A_24, %ge3A_69 : vector<2560x512xf32>
    %jit3A_71 = arith.constant 0.000000e+00 : f32
    %broadcast_in_dim3A_72 = vector.broadcast %jit3A_71 : f32 to vector<2560x512xf32>
    %select_n3A_73 = arith.select %ge3A_70, %add3A_36, %broadcast_in_dim3A_72 : vector<2560x512xi1>, vector<2560x512xf32>
    %reduce_sum3A_74 = arith.constant dense<0.000000e+00> : vector<2560xf32>
    %reduce_sum3A_75 = vector.multi_reduction <add>, %select_n3A_73, %reduce_sum3A_74 [1] : vector<2560x512xf32> to vector<2560xf32>
    %broadcast_in_dim3A_76 = vector.shape_cast %reduce_sum3A_75 : vector<2560xf32> to vector<2560x1xf32>
    %sub3A_77 = arith.subf %broadcast_in_dim3A_76, %broadcast_in_dim3A_61 : vector<2560x1xf32>
    %jit3A_78 = arith.constant -1.000000e+30 : f32
    %broadcast_in_dim3A_79 = vector.broadcast %jit3A_78 : f32 to vector<2560x512xf32>
    %select_n3A_80 = arith.select %ge3A_70, %broadcast_in_dim3A_79, %select_n3A_24 : vector<2560x512xi1>, vector<2560x512xf32>
    %reduce_max3A_81 = arith.constant dense<0xFF800000> : vector<2560xf32>
    %reduce_max3A_82 = vector.multi_reduction <maximumf>, %select_n3A_80, %reduce_max3A_81 [1] : vector<2560x512xf32> to vector<2560xf32>
    %broadcast_in_dim3A_83 = vector.shape_cast %reduce_max3A_82 : vector<2560xf32> to vector<2560x1xf32>
    %ge3A_84 = vector.broadcast %broadcast_in_dim3A_83 : vector<2560x1xf32> to vector<2560x512xf32>
    %ge3A_85 = arith.cmpf oge, %select_n3A_24, %ge3A_84 : vector<2560x512xf32>
    %jit3A_86 = arith.constant 0.000000e+00 : f32
    %broadcast_in_dim3A_87 = vector.broadcast %jit3A_86 : f32 to vector<2560x512xf32>
    %select_n3A_88 = arith.select %ge3A_85, %add3A_36, %broadcast_in_dim3A_87 : vector<2560x512xi1>, vector<2560x512xf32>
    %reduce_sum3A_89 = arith.constant dense<0.000000e+00> : vector<2560xf32>
    %reduce_sum3A_90 = vector.multi_reduction <add>, %select_n3A_88, %reduce_sum3A_89 [1] : vector<2560x512xf32> to vector<2560xf32>
    %broadcast_in_dim3A_91 = vector.shape_cast %reduce_sum3A_90 : vector<2560xf32> to vector<2560x1xf32>
    %sub3A_92 = arith.subf %broadcast_in_dim3A_91, %broadcast_in_dim3A_76 : vector<2560x1xf32>
    %jit3A_93 = arith.constant -1.000000e+30 : f32
    %broadcast_in_dim3A_94 = vector.broadcast %jit3A_93 : f32 to vector<2560x512xf32>
    %select_n3A_95 = arith.select %ge3A_85, %broadcast_in_dim3A_94, %select_n3A_24 : vector<2560x512xi1>, vector<2560x512xf32>
    %reduce_max3A_96 = arith.constant dense<0xFF800000> : vector<2560xf32>
    %reduce_max3A_97 = vector.multi_reduction <maximumf>, %select_n3A_95, %reduce_max3A_96 [1] : vector<2560x512xf32> to vector<2560xf32>
    %broadcast_in_dim3A_98 = vector.shape_cast %reduce_max3A_97 : vector<2560xf32> to vector<2560x1xf32>
    %ge3A_99 = vector.broadcast %broadcast_in_dim3A_98 : vector<2560x1xf32> to vector<2560x512xf32>
    %ge3A_100 = arith.cmpf oge, %select_n3A_24, %ge3A_99 : vector<2560x512xf32>
    %jit3A_101 = arith.constant 0.000000e+00 : f32
    %broadcast_in_dim3A_102 = vector.broadcast %jit3A_101 : f32 to vector<2560x512xf32>
    %select_n3A_103 = arith.select %ge3A_100, %add3A_36, %broadcast_in_dim3A_102 : vector<2560x512xi1>, vector<2560x512xf32>
    %reduce_sum3A_104 = arith.constant dense<0.000000e+00> : vector<2560xf32>
    %reduce_sum3A_105 = vector.multi_reduction <add>, %select_n3A_103, %reduce_sum3A_104 [1] : vector<2560x512xf32> to vector<2560xf32>
    %broadcast_in_dim3A_106 = vector.shape_cast %reduce_sum3A_105 : vector<2560xf32> to vector<2560x1xf32>
    %sub3A_107 = arith.subf %broadcast_in_dim3A_106, %broadcast_in_dim3A_91 : vector<2560x1xf32>
    %jit3A_108 = arith.constant -1.000000e+30 : f32
    %broadcast_in_dim3A_109 = vector.broadcast %jit3A_108 : f32 to vector<2560x512xf32>
    %select_n3A_110 = arith.select %ge3A_100, %broadcast_in_dim3A_109, %select_n3A_24 : vector<2560x512xi1>, vector<2560x512xf32>
    %reduce_max3A_111 = arith.constant dense<0xFF800000> : vector<2560xf32>
    %reduce_max3A_112 = vector.multi_reduction <maximumf>, %select_n3A_110, %reduce_max3A_111 [1] : vector<2560x512xf32> to vector<2560xf32>
    %broadcast_in_dim3A_113 = vector.shape_cast %reduce_max3A_112 : vector<2560xf32> to vector<2560x1xf32>
    %ge3A_114 = vector.broadcast %broadcast_in_dim3A_113 : vector<2560x1xf32> to vector<2560x512xf32>
    %ge3A_115 = arith.cmpf oge, %select_n3A_24, %ge3A_114 : vector<2560x512xf32>
    %jit3A_116 = arith.constant 0.000000e+00 : f32
    %broadcast_in_dim3A_117 = vector.broadcast %jit3A_116 : f32 to vector<2560x512xf32>
    %select_n3A_118 = arith.select %ge3A_115, %add3A_36, %broadcast_in_dim3A_117 : vector<2560x512xi1>, vector<2560x512xf32>
    %reduce_sum3A_119 = arith.constant dense<0.000000e+00> : vector<2560xf32>
    %reduce_sum3A_120 = vector.multi_reduction <add>, %select_n3A_118, %reduce_sum3A_119 [1] : vector<2560x512xf32> to vector<2560xf32>
    %broadcast_in_dim3A_121 = vector.shape_cast %reduce_sum3A_120 : vector<2560xf32> to vector<2560x1xf32>
    %sub3A_122 = arith.subf %broadcast_in_dim3A_121, %broadcast_in_dim3A_106 : vector<2560x1xf32>
    %concatenate3A = tpu.concatenate %broadcast_in_dim3A_38, %broadcast_in_dim3A_53, %broadcast_in_dim3A_68, %broadcast_in_dim3A_83, %broadcast_in_dim3A_98, %broadcast_in_dim3A_113 in 1 : vector<2560x1xf32>, vector<2560x1xf32>, vector<2560x1xf32>, vector<2560x1xf32>, vector<2560x1xf32>, vector<2560x1xf32> -> vector<2560x6xf32>
    %concatenate3A_123 = tpu.concatenate %sub3A_47, %sub3A_62, %sub3A_77, %sub3A_92, %sub3A_107, %sub3A_122 in 1 : vector<2560x1xf32>, vector<2560x1xf32>, vector<2560x1xf32>, vector<2560x1xf32>, vector<2560x1xf32>, vector<2560x1xf32> -> vector<2560x6xf32>
    %eq3A = arith.constant 0 : i32
    %eq3A_124 = arith.cmpi eq, %arg0, %eq3A : i32
    %convert_element_type3A_125 = arith.extui %eq3A_124 : i1 to i32
    %cond3A = arith.constant 0 : i32
    %cond3A_126 = arith.cmpi ne, %convert_element_type3A_125, %cond3A : i32
    scf.if %cond3A_126 {
      %broadcast_in_dim3A_137 = arith.constant -1.000000e+30 : f32
      %broadcast_in_dim3A_138 = vector.broadcast %broadcast_in_dim3A_137 : f32 to vector<2560x2xf32>
      %concatenate3A_139 = tpu.concatenate %concatenate3A, %broadcast_in_dim3A_138 in 1 : vector<2560x6xf32>, vector<2560x2xf32> -> vector<2560x8xf32>
      %swap3A = arith.constant 0 : index
      %swap3A_140 = arith.constant 0 : index
      %swap3A_141 = vector.load %arg4[%swap3A, %swap3A_140] : memref<2560x8xf32, #tpu.memory_space<vmem>>, vector<2560x8xf32>
      tpu.vector_store %arg4[%swap3A, %swap3A_140], %concatenate3A_139 {strides = array<i32>} : memref<2560x8xf32, #tpu.memory_space<vmem>>, vector<2560x8xf32>,
      %broadcast_in_dim3A_142 = arith.constant 1.000000e+09 : f32
      %broadcast_in_dim3A_143 = vector.broadcast %broadcast_in_dim3A_142 : f32 to vector<2560x2xf32>
      %concatenate3A_144 = tpu.concatenate %concatenate3A_123, %broadcast_in_dim3A_143 in 1 : vector<2560x6xf32>, vector<2560x2xf32> -> vector<2560x8xf32>
      %swap3A_145 = arith.constant 0 : index
      %swap3A_146 = arith.constant 0 : index
      %swap3A_147 = vector.load %arg5[%swap3A_145, %swap3A_146] : memref<2560x8xf32, #tpu.memory_space<vmem>>, vector<2560x8xf32>
      tpu.vector_store %arg5[%swap3A_145, %swap3A_146], %concatenate3A_144 {strides = array<i32>} : memref<2560x8xf32, #tpu.memory_space<vmem>>, vector<2560x8xf32>,
    } else {
    }
    %gt3A_127 = arith.constant 0 : i32
    %gt3A_128 = arith.cmpi sgt, %arg0, %gt3A_127 : i32
    %convert_element_type3A_129 = arith.extui %gt3A_128 : i1 to i32
    %cond3A_130 = arith.constant 0 : i32
    %cond3A_131 = arith.cmpi ne, %convert_element_type3A_129, %cond3A_130 : i32
    scf.if %cond3A_131 {
      %get3A_137 = arith.constant 0 : index
      %get3A_138 = arith.constant 0 : index
      %get3A_139 = vector.load %arg4[%get3A_137, %get3A_138] : memref<2560x8xf32, #tpu.memory_space<vmem>>, vector<2560x8xf32>
      %concatenate3A_140 = tpu.concatenate %get3A_139, %concatenate3A in 1 : vector<2560x8xf32>, vector<2560x6xf32> -> vector<2560x14xf32>
      %get3A_141 = arith.constant 0 : index
      %get3A_142 = arith.constant 0 : index
      %get3A_143 = vector.load %arg5[%get3A_141, %get3A_142] : memref<2560x8xf32, #tpu.memory_space<vmem>>, vector<2560x8xf32>
      %concatenate3A_144 = tpu.concatenate %get3A_143, %concatenate3A_123 in 1 : vector<2560x8xf32>, vector<2560x6xf32> -> vector<2560x14xf32>
      %reduce_max3A_145 = arith.constant dense<0xFF800000> : vector<2560xf32>
      %reduce_max3A_146 = vector.multi_reduction <maximumf>, %concatenate3A_140, %reduce_max3A_145 [1] : vector<2560x14xf32> to vector<2560xf32>
      %broadcast_in_dim3A_147 = vector.shape_cast %reduce_max3A_146 : vector<2560xf32> to vector<2560x1xf32>
      %ge3A_148 = vector.broadcast %broadcast_in_dim3A_147 : vector<2560x1xf32> to vector<2560x14xf32>
      %ge3A_149 = arith.cmpf oge, %concatenate3A_140, %ge3A_148 : vector<2560x14xf32>
      %jit3A_150 = arith.constant 0.000000e+00 : f32
      %broadcast_in_dim3A_151 = vector.broadcast %jit3A_150 : f32 to vector<2560x14xf32>
      %select_n3A_152 = arith.select %ge3A_149, %concatenate3A_144, %broadcast_in_dim3A_151 : vector<2560x14xi1>, vector<2560x14xf32>
      %reduce_sum3A_153 = arith.constant dense<0.000000e+00> : vector<2560xf32>
      %reduce_sum3A_154 = vector.multi_reduction <add>, %select_n3A_152, %reduce_sum3A_153 [1] : vector<2560x14xf32> to vector<2560xf32>
      %broadcast_in_dim3A_155 = vector.shape_cast %reduce_sum3A_154 : vector<2560xf32> to vector<2560x1xf32>
      %sub3A_156 = arith.constant 0.000000e+00 : f32
      %sub3A_157 = vector.broadcast %sub3A_156 : f32 to vector<2560x1xf32>
      %sub3A_158 = arith.subf %broadcast_in_dim3A_155, %sub3A_157 : vector<2560x1xf32>
      %jit3A_159 = arith.constant -1.000000e+30 : f32
      %broadcast_in_dim3A_160 = vector.broadcast %jit3A_159 : f32 to vector<2560x14xf32>
      %select_n3A_161 = arith.select %ge3A_149, %broadcast_in_dim3A_160, %concatenate3A_140 : vector<2560x14xi1>, vector<2560x14xf32>
      %reduce_max3A_162 = arith.constant dense<0xFF800000> : vector<2560xf32>
      %reduce_max3A_163 = vector.multi_reduction <maximumf>, %select_n3A_161, %reduce_max3A_162 [1] : vector<2560x14xf32> to vector<2560xf32>
      %broadcast_in_dim3A_164 = vector.shape_cast %reduce_max3A_163 : vector<2560xf32> to vector<2560x1xf32>
      %ge3A_165 = vector.broadcast %broadcast_in_dim3A_164 : vector<2560x1xf32> to vector<2560x14xf32>
      %ge3A_166 = arith.cmpf oge, %concatenate3A_140, %ge3A_165 : vector<2560x14xf32>
      %jit3A_167 = arith.constant 0.000000e+00 : f32
      %broadcast_in_dim3A_168 = vector.broadcast %jit3A_167 : f32 to vector<2560x14xf32>
      %select_n3A_169 = arith.select %ge3A_166, %concatenate3A_144, %broadcast_in_dim3A_168 : vector<2560x14xi1>, vector<2560x14xf32>
      %reduce_sum3A_170 = arith.constant dense<0.000000e+00> : vector<2560xf32>
      %reduce_sum3A_171 = vector.multi_reduction <add>, %select_n3A_169, %reduce_sum3A_170 [1] : vector<2560x14xf32> to vector<2560xf32>
      %broadcast_in_dim3A_172 = vector.shape_cast %reduce_sum3A_171 : vector<2560xf32> to vector<2560x1xf32>
      %sub3A_173 = arith.subf %broadcast_in_dim3A_172, %broadcast_in_dim3A_155 : vector<2560x1xf32>
      %jit3A_174 = arith.constant -1.000000e+30 : f32
      %broadcast_in_dim3A_175 = vector.broadcast %jit3A_174 : f32 to vector<2560x14xf32>
      %select_n3A_176 = arith.select %ge3A_166, %broadcast_in_dim3A_175, %concatenate3A_140 : vector<2560x14xi1>, vector<2560x14xf32>
      %reduce_max3A_177 = arith.constant dense<0xFF800000> : vector<2560xf32>
      %reduce_max3A_178 = vector.multi_reduction <maximumf>, %select_n3A_176, %reduce_max3A_177 [1] : vector<2560x14xf32> to vector<2560xf32>
      %broadcast_in_dim3A_179 = vector.shape_cast %reduce_max3A_178 : vector<2560xf32> to vector<2560x1xf32>
      %ge3A_180 = vector.broadcast %broadcast_in_dim3A_179 : vector<2560x1xf32> to vector<2560x14xf32>
      %ge3A_181 = arith.cmpf oge, %concatenate3A_140, %ge3A_180 : vector<2560x14xf32>
      %jit3A_182 = arith.constant 0.000000e+00 : f32
      %broadcast_in_dim3A_183 = vector.broadcast %jit3A_182 : f32 to vector<2560x14xf32>
      %select_n3A_184 = arith.select %ge3A_181, %concatenate3A_144, %broadcast_in_dim3A_183 : vector<2560x14xi1>, vector<2560x14xf32>
      %reduce_sum3A_185 = arith.constant dense<0.000000e+00> : vector<2560xf32>
      %reduce_sum3A_186 = vector.multi_reduction <add>, %select_n3A_184, %reduce_sum3A_185 [1] : vector<2560x14xf32> to vector<2560xf32>
      %broadcast_in_dim3A_187 = vector.shape_cast %reduce_sum3A_186 : vector<2560xf32> to vector<2560x1xf32>
      %sub3A_188 = arith.subf %broadcast_in_dim3A_187, %broadcast_in_dim3A_172 : vector<2560x1xf32>
      %jit3A_189 = arith.constant -1.000000e+30 : f32
      %broadcast_in_dim3A_190 = vector.broadcast %jit3A_189 : f32 to vector<2560x14xf32>
      %select_n3A_191 = arith.select %ge3A_181, %broadcast_in_dim3A_190, %concatenate3A_140 : vector<2560x14xi1>, vector<2560x14xf32>
      %reduce_max3A_192 = arith.constant dense<0xFF800000> : vector<2560xf32>
      %reduce_max3A_193 = vector.multi_reduction <maximumf>, %select_n3A_191, %reduce_max3A_192 [1] : vector<2560x14xf32> to vector<2560xf32>
      %broadcast_in_dim3A_194 = vector.shape_cast %reduce_max3A_193 : vector<2560xf32> to vector<2560x1xf32>
      %ge3A_195 = vector.broadcast %broadcast_in_dim3A_194 : vector<2560x1xf32> to vector<2560x14xf32>
      %ge3A_196 = arith.cmpf oge, %concatenate3A_140, %ge3A_195 : vector<2560x14xf32>
      %jit3A_197 = arith.constant 0.000000e+00 : f32
      %broadcast_in_dim3A_198 = vector.broadcast %jit3A_197 : f32 to vector<2560x14xf32>
      %select_n3A_199 = arith.select %ge3A_196, %concatenate3A_144, %broadcast_in_dim3A_198 : vector<2560x14xi1>, vector<2560x14xf32>
      %reduce_sum3A_200 = arith.constant dense<0.000000e+00> : vector<2560xf32>
      %reduce_sum3A_201 = vector.multi_reduction <add>, %select_n3A_199, %reduce_sum3A_200 [1] : vector<2560x14xf32> to vector<2560xf32>
      %broadcast_in_dim3A_202 = vector.shape_cast %reduce_sum3A_201 : vector<2560xf32> to vector<2560x1xf32>
      %sub3A_203 = arith.subf %broadcast_in_dim3A_202, %broadcast_in_dim3A_187 : vector<2560x1xf32>
      %jit3A_204 = arith.constant -1.000000e+30 : f32
      %broadcast_in_dim3A_205 = vector.broadcast %jit3A_204 : f32 to vector<2560x14xf32>
      %select_n3A_206 = arith.select %ge3A_196, %broadcast_in_dim3A_205, %concatenate3A_140 : vector<2560x14xi1>, vector<2560x14xf32>
      %reduce_max3A_207 = arith.constant dense<0xFF800000> : vector<2560xf32>
      %reduce_max3A_208 = vector.multi_reduction <maximumf>, %select_n3A_206, %reduce_max3A_207 [1] : vector<2560x14xf32> to vector<2560xf32>
      %broadcast_in_dim3A_209 = vector.shape_cast %reduce_max3A_208 : vector<2560xf32> to vector<2560x1xf32>
      %ge3A_210 = vector.broadcast %broadcast_in_dim3A_209 : vector<2560x1xf32> to vector<2560x14xf32>
      %ge3A_211 = arith.cmpf oge, %concatenate3A_140, %ge3A_210 : vector<2560x14xf32>
      %jit3A_212 = arith.constant 0.000000e+00 : f32
      %broadcast_in_dim3A_213 = vector.broadcast %jit3A_212 : f32 to vector<2560x14xf32>
      %select_n3A_214 = arith.select %ge3A_211, %concatenate3A_144, %broadcast_in_dim3A_213 : vector<2560x14xi1>, vector<2560x14xf32>
      %reduce_sum3A_215 = arith.constant dense<0.000000e+00> : vector<2560xf32>
      %reduce_sum3A_216 = vector.multi_reduction <add>, %select_n3A_214, %reduce_sum3A_215 [1] : vector<2560x14xf32> to vector<2560xf32>
      %broadcast_in_dim3A_217 = vector.shape_cast %reduce_sum3A_216 : vector<2560xf32> to vector<2560x1xf32>
      %sub3A_218 = arith.subf %broadcast_in_dim3A_217, %broadcast_in_dim3A_202 : vector<2560x1xf32>
      %jit3A_219 = arith.constant -1.000000e+30 : f32
      %broadcast_in_dim3A_220 = vector.broadcast %jit3A_219 : f32 to vector<2560x14xf32>
      %select_n3A_221 = arith.select %ge3A_211, %broadcast_in_dim3A_220, %concatenate3A_140 : vector<2560x14xi1>, vector<2560x14xf32>
      %reduce_max3A_222 = arith.constant dense<0xFF800000> : vector<2560xf32>
      %reduce_max3A_223 = vector.multi_reduction <maximumf>, %select_n3A_221, %reduce_max3A_222 [1] : vector<2560x14xf32> to vector<2560xf32>
      %broadcast_in_dim3A_224 = vector.shape_cast %reduce_max3A_223 : vector<2560xf32> to vector<2560x1xf32>
      %ge3A_225 = vector.broadcast %broadcast_in_dim3A_224 : vector<2560x1xf32> to vector<2560x14xf32>
      %ge3A_226 = arith.cmpf oge, %concatenate3A_140, %ge3A_225 : vector<2560x14xf32>
      %jit3A_227 = arith.constant 0.000000e+00 : f32
      %broadcast_in_dim3A_228 = vector.broadcast %jit3A_227 : f32 to vector<2560x14xf32>
      %select_n3A_229 = arith.select %ge3A_226, %concatenate3A_144, %broadcast_in_dim3A_228 : vector<2560x14xi1>, vector<2560x14xf32>
      %reduce_sum3A_230 = arith.constant dense<0.000000e+00> : vector<2560xf32>
      %reduce_sum3A_231 = vector.multi_reduction <add>, %select_n3A_229, %reduce_sum3A_230 [1] : vector<2560x14xf32> to vector<2560xf32>
      %broadcast_in_dim3A_232 = vector.shape_cast %reduce_sum3A_231 : vector<2560xf32> to vector<2560x1xf32>
      %sub3A_233 = arith.subf %broadcast_in_dim3A_232, %broadcast_in_dim3A_217 : vector<2560x1xf32>
      %concatenate3A_234 = tpu.concatenate %broadcast_in_dim3A_147, %broadcast_in_dim3A_164, %broadcast_in_dim3A_179, %broadcast_in_dim3A_194, %broadcast_in_dim3A_209, %broadcast_in_dim3A_224 in 1 : vector<2560x1xf32>, vector<2560x1xf32>, vector<2560x1xf32>, vector<2560x1xf32>, vector<2560x1xf32>, vector<2560x1xf32> -> vector<2560x6xf32>
      %concatenate3A_235 = tpu.concatenate %sub3A_158, %sub3A_173, %sub3A_188, %sub3A_203, %sub3A_218, %sub3A_233 in 1 : vector<2560x1xf32>, vector<2560x1xf32>, vector<2560x1xf32>, vector<2560x1xf32>, vector<2560x1xf32>, vector<2560x1xf32> -> vector<2560x6xf32>
      %swap3A = arith.constant 0 : index
      %swap3A_236 = arith.constant 0 : index
      %swap3A_237 = vector.load %arg4[%swap3A, %swap3A_236] : memref<2560x8xf32, #tpu.memory_space<vmem>>, vector<2560x6xf32>
      tpu.vector_store %arg4[%swap3A, %swap3A_236], %concatenate3A_234 {strides = array<i32>} : memref<2560x8xf32, #tpu.memory_space<vmem>>, vector<2560x6xf32>,
      %swap3A_238 = arith.constant 0 : index
      %swap3A_239 = arith.constant 0 : index
      %swap3A_240 = vector.load %arg5[%swap3A_238, %swap3A_239] : memref<2560x8xf32, #tpu.memory_space<vmem>>, vector<2560x6xf32>
      tpu.vector_store %arg5[%swap3A_238, %swap3A_239], %concatenate3A_235 {strides = array<i32>} : memref<2560x8xf32, #tpu.memory_space<vmem>>, vector<2560x6xf32>,
    } else {
    }
    %eq3A_132 = arith.constant 9 : i32
    %eq3A_133 = arith.cmpi eq, %arg0, %eq3A_132 : i32
    %convert_element_type3A_134 = arith.extui %eq3A_133 : i1 to i32
    %cond3A_135 = arith.constant 0 : i32
    %cond3A_136 = arith.cmpi ne, %convert_element_type3A_134, %cond3A_135 : i32
    scf.if %cond3A_136 {
      %get3A_137 = arith.constant 0 : index
      %get3A_138 = arith.constant 0 : index
      %get3A_139 = vector.load %arg5[%get3A_137, %get3A_138] : memref<2560x8xf32, #tpu.memory_space<vmem>>, vector<2560x6xf32>
      %jit3A_140 = arith.constant 0.000000e+00 : f32
      %jit3A_141 = arith.constant 1.999900e+04 : f32
      %max3A = vector.broadcast %jit3A_140 : f32 to vector<2560x6xf32>
      %max3A_142 = arith.maximumf %max3A, %get3A_139 : vector<2560x6xf32>
      %min3A = vector.broadcast %jit3A_141 : f32 to vector<2560x6xf32>
      %min3A_143 = arith.minimumf %min3A, %max3A_142 : vector<2560x6xf32>
      %convert_element_type3A_144 = arith.fptosi %min3A_143 : vector<2560x6xf32> to vector<2560x6xi32>
      %swap3A = arith.constant 0 : index
      %swap3A_145 = arith.constant 0 : index
      %swap3A_146 = vector.load %arg3[%swap3A, %swap3A_145] : memref<2560x6xi32, #tpu.memory_space<vmem>>, vector<2560x6xi32>
      tpu.vector_store %arg3[%swap3A, %swap3A_145], %convert_element_type3A_144 {strides = array<i32>} : memref<2560x6xi32, #tpu.memory_space<vmem>>, vector<2560x6xi32>,
    } else {
    }
    return
  }
  func.func @transform_0(%arg0: i32) -> (i32, i32) {
    %c0_i32 = arith.constant 0 : i32
    %c0_i32_0 = arith.constant 0 : i32
    %c0_i32_1 = arith.constant 0 : i32
    return %c0_i32, %c0_i32_0 : i32, i32
  }
  func.func @transform_1(%arg0: i32) -> (i32, i32) {
    %c0_i32 = arith.constant 0 : i32
    %c0_i32_0 = arith.constant 0 : i32
    return %arg0, %c0_i32 : i32, i32
  }
  func.func @transform_2(%arg0: i32) -> (i32, i32) {
    %c0_i32 = arith.constant 0 : i32
    %c0_i32_0 = arith.constant 0 : i32
    %c0_i32_1 = arith.constant 0 : i32
    return %c0_i32, %c0_i32_0 : i32, i32
  }
}

module attributes {stable_mosaic.version = 14 : i64} {
  func.func @_kernel_c(%arg0: memref<2560x128xf32, #tpu.memory_space<vmem>>, %arg1: memref<12800x128xf32, #tpu.memory_space<vmem>>, %arg2: memref<512x10xf32, #tpu.memory_space<vmem>>, %arg3: memref<512x25xi32, #tpu.memory_space<vmem>>, %arg4: memref<512x1xi32, #tpu.memory_space<vmem>>, %arg5: memref<1x1xf32, #tpu.memory_space<vmem>>) attributes {dimension_semantics = [], scalar_prefetch = 0 : i64, scratch_operands = 0 : i64, tpu.core_type = #tpu.core_type<tc>} {
    %get3A = arith.constant 0 : index
    %get3A_0 = arith.constant 0 : index
    %get3A_1 = vector.load %arg2[%get3A, %get3A_0] : memref<512x10xf32, #tpu.memory_space<vmem>>, vector<512x10xf32>
    %broadcast_in_dim3A = arith.constant 0.000000e+00 : f32
    %broadcast_in_dim3A_2 = vector.broadcast %broadcast_in_dim3A : f32 to vector<512x118xf32>
    %concatenate3A = tpu.concatenate %get3A_1, %broadcast_in_dim3A_2 in 1 : vector<512x10xf32>, vector<512x118xf32> -> vector<512x128xf32>
    %iota3A = tpu.iota {dimensions = array<i32: 1>} : vector<2560x128xi32>
    %lt3A = arith.constant 10 : i32
    %lt3A_3 = vector.broadcast %lt3A : i32 to vector<2560x128xi32>
    %lt3A_4 = arith.cmpi slt, %iota3A, %lt3A_3 : vector<2560x128xi32>
    %get3A_5 = arith.constant 0 : index
    %get3A_6 = arith.constant 0 : index
    %get3A_7 = vector.load %arg0[%get3A_5, %get3A_6] : memref<2560x128xf32, #tpu.memory_space<vmem>>, vector<2560x128xf32>
    %jit3A = arith.constant 1.000000e+00 : f32
    %broadcast_in_dim3A_8 = vector.broadcast %jit3A : f32 to vector<2560x128xf32>
    %select_n3A = arith.select %lt3A_4, %get3A_7, %broadcast_in_dim3A_8 : vector<2560x128xi1>, vector<2560x128xf32>
    %log3A = math.log %select_n3A : vector<2560x128xf32>
    %broadcast_in_dim3A_9 = vector.shape_cast %concatenate3A : vector<512x128xf32> to vector<512x1x128xf32>
    %broadcast_in_dim3A_10 = vector.broadcast %broadcast_in_dim3A_9 : vector<512x1x128xf32> to vector<512x5x128xf32>
    %reshape3A = vector.shape_cast %broadcast_in_dim3A_10 : vector<512x5x128xf32> to vector<2560x128xf32>
    %sub3A = arith.subf %log3A, %reshape3A : vector<2560x128xf32>
    %mul3A = arith.mulf %select_n3A, %sub3A : vector<2560x128xf32>
    %reshape3A_11 = vector.shape_cast %mul3A : vector<2560x128xf32> to vector<512x5x128xf32>
    %reduce_sum3A = arith.constant dense<0.000000e+00> : vector<512x5xf32>
    %reduce_sum3A_12 = vector.multi_reduction <add>, %reshape3A_11, %reduce_sum3A [2] : vector<512x5x128xf32> to vector<512x5xf32>
    %get3A_13 = arith.constant 0 : index
    %get3A_14 = arith.constant 0 : index
    %get3A_15 = vector.load %arg3[%get3A_13, %get3A_14] : memref<512x25xi32, #tpu.memory_space<vmem>>, vector<512x25xi32>
    %get3A_16 = arith.constant 0 : index
    %get3A_17 = arith.constant 0 : index
    %get3A_18 = vector.load %arg4[%get3A_16, %get3A_17] : memref<512x1xi32, #tpu.memory_space<vmem>>, vector<512x1xi32>
    %eq3A = vector.broadcast %get3A_18 : vector<512x1xi32> to vector<512x25xi32>
    %eq3A_19 = arith.cmpi eq, %get3A_15, %eq3A : vector<512x25xi32>
    %convert_element_type3A = arith.extui %eq3A_19 : vector<512x25xi1> to vector<512x25xi32>
    %convert_element_type3A_20 = arith.sitofp %convert_element_type3A : vector<512x25xi32> to vector<512x25xf32>
    %reshape3A_21 = vector.shape_cast %convert_element_type3A_20 : vector<512x25xf32> to vector<512x5x5xf32>
    %reduce_sum3A_22 = arith.constant dense<0.000000e+00> : vector<512x5xf32>
    %reduce_sum3A_23 = vector.multi_reduction <add>, %reshape3A_21, %reduce_sum3A_22 [2] : vector<512x5x5xf32> to vector<512x5xf32>
    %gt3A = arith.constant 0.000000e+00 : f32
    %gt3A_24 = vector.broadcast %gt3A : f32 to vector<512x5xf32>
    %gt3A_25 = arith.cmpf ogt, %reduce_sum3A_23, %gt3A_24 : vector<512x5xf32>
    %jit3A_26 = arith.constant 1.000000e-01 : f32
    %broadcast_in_dim3A_27 = vector.broadcast %jit3A_26 : f32 to vector<512x5xf32>
    %select_n3A_28 = arith.select %gt3A_25, %reduce_sum3A_23, %broadcast_in_dim3A_27 : vector<512x5xi1>, vector<512x5xf32>
    %mul3A_29 = arith.mulf %reduce_sum3A_12, %select_n3A_28 : vector<512x5xf32>
    %reduce_sum3A_30 = vector.shape_cast %mul3A_29 : vector<512x5xf32> to vector<1x512x5xf32>
    %reduce_sum3A_31 = arith.constant dense<0.000000e+00> : vector<1xf32>
    %reduce_sum3A_32 = vector.multi_reduction <add>, %reduce_sum3A_30, %reduce_sum3A_31 [1, 2] : vector<1x512x5xf32> to vector<1xf32>
    %reduce_sum3A_33 = vector.shape_cast %reduce_sum3A_32 : vector<1xf32> to vector<1x1x1xf32>
    %reduce_sum3A_34 = vector.extract %reduce_sum3A_33[0, 0, 0] : f32 from vector<1x1x1xf32>
    %div3A = arith.constant 5.120000e+02 : f32
    %div3A_35 = arith.divf %reduce_sum3A_34, %div3A : f32
    %iota3A_36 = tpu.iota {dimensions = array<i32: 1>} : vector<12800x128xi32>
    %lt3A_37 = arith.constant 10 : i32
    %lt3A_38 = vector.broadcast %lt3A_37 : i32 to vector<12800x128xi32>
    %lt3A_39 = arith.cmpi slt, %iota3A_36, %lt3A_38 : vector<12800x128xi32>
    %get3A_40 = arith.constant 0 : index
    %get3A_41 = arith.constant 0 : index
    %get3A_42 = vector.load %arg1[%get3A_40, %get3A_41] : memref<12800x128xf32, #tpu.memory_space<vmem>>, vector<12800x128xf32>
    %jit3A_43 = arith.constant 1.000000e+00 : f32
    %broadcast_in_dim3A_44 = vector.broadcast %jit3A_43 : f32 to vector<12800x128xf32>
    %select_n3A_45 = arith.select %lt3A_39, %get3A_42, %broadcast_in_dim3A_44 : vector<12800x128xi1>, vector<12800x128xf32>
    %log3A_46 = math.log %select_n3A_45 : vector<12800x128xf32>
    %broadcast_in_dim3A_47 = vector.shape_cast %concatenate3A : vector<512x128xf32> to vector<512x1x128xf32>
    %broadcast_in_dim3A_48 = vector.broadcast %broadcast_in_dim3A_47 : vector<512x1x128xf32> to vector<512x25x128xf32>
    %reshape3A_49 = vector.shape_cast %broadcast_in_dim3A_48 : vector<512x25x128xf32> to vector<12800x128xf32>
    %sub3A_50 = arith.subf %log3A_46, %reshape3A_49 : vector<12800x128xf32>
    %mul3A_51 = arith.mulf %select_n3A_45, %sub3A_50 : vector<12800x128xf32>
    %reduce_sum3A_52 = vector.shape_cast %mul3A_51 : vector<12800x128xf32> to vector<1x12800x128xf32>
    %reduce_sum3A_53 = arith.constant dense<0.000000e+00> : vector<1xf32>
    %reduce_sum3A_54 = vector.multi_reduction <add>, %reduce_sum3A_52, %reduce_sum3A_53 [1, 2] : vector<1x12800x128xf32> to vector<1xf32>
    %reduce_sum3A_55 = vector.shape_cast %reduce_sum3A_54 : vector<1xf32> to vector<1x1x1xf32>
    %reduce_sum3A_56 = vector.extract %reduce_sum3A_55[0, 0, 0] : f32 from vector<1x1x1xf32>
    %mul3A_57 = arith.constant 1.000000e-01 : f32
    %mul3A_58 = arith.mulf %mul3A_57, %reduce_sum3A_56 : f32
    %div3A_59 = arith.constant 5.120000e+02 : f32
    %div3A_60 = arith.divf %mul3A_58, %div3A_59 : f32
    %reduce_sum3A_61 = arith.constant dense<0.000000e+00> : vector<10xf32>
    %reduce_sum3A_62 = vector.multi_reduction <add>, %get3A_1, %reduce_sum3A_61 [0] : vector<512x10xf32> to vector<10xf32>
    %div3A_63 = arith.constant 5.120000e+02 : f32
    %div3A_64 = vector.broadcast %div3A_63 : f32 to vector<10xf32>
    %div3A_65 = arith.divf %reduce_sum3A_62, %div3A_64 : vector<10xf32>
    %add3A = arith.constant 9.99999974E-6 : f32
    %add3A_66 = vector.broadcast %add3A : f32 to vector<10xf32>
    %add3A_67 = arith.addf %div3A_65, %add3A_66 : vector<10xf32>
    %log3A_68 = math.log %add3A_67 : vector<10xf32>
    %mul3A_69 = arith.mulf %div3A_65, %log3A_68 : vector<10xf32>
    %reduce_sum3A_70 = vector.shape_cast %mul3A_69 : vector<10xf32> to vector<1x10xf32>
    %reduce_sum3A_71 = arith.constant dense<0.000000e+00> : vector<1xf32>
    %reduce_sum3A_72 = vector.multi_reduction <add>, %reduce_sum3A_70, %reduce_sum3A_71 [1] : vector<1x10xf32> to vector<1xf32>
    %reduce_sum3A_73 = vector.shape_cast %reduce_sum3A_72 : vector<1xf32> to vector<1x1xf32>
    %reduce_sum3A_74 = vector.extract %reduce_sum3A_73[0, 0] : f32 from vector<1x1xf32>
    %add3A_75 = arith.addf %div3A_60, %div3A_35 : f32
    %add3A_76 = arith.addf %add3A_75, %reduce_sum3A_74 : f32
    %reshape3A_77 = vector.broadcast %add3A_76 : f32 to vector<1x1xf32>
    %swap3A = arith.constant 0 : index
    %swap3A_78 = arith.constant 0 : index
    %swap3A_79 = vector.load %arg5[%swap3A, %swap3A_78] : memref<1x1xf32, #tpu.memory_space<vmem>>, vector<1x1xf32>
    tpu.vector_store %arg5[%swap3A, %swap3A_78], %reshape3A_77 {strides = array<i32>} : memref<1x1xf32, #tpu.memory_space<vmem>>, vector<1x1xf32>,
    return
  }
}

</mosaic_0001>

<sc_bundles>
// kernel: kernel.11.cloned.1.call-start
scs
__scs_entry_jumppad:
0x0: {  	(pc) =	sbr.rel $0x88, $3  }
0x1: {  	(tag) =	ssettag $0x0;
	lr =	simm.s32 $0x1  }
0x2: {  	[smem:$0x3F9C] =	sst lr;
	_ =	strace $0xD0000000  }
0x3: {  	_ = 	snop  }
0x4: {  	_ = 	snop  }
0x5: {  	_ = 	snop  }
0x6: {  	_ = 	snop  }
0x7: {  	_ = 	snop  }
__scs_overlays_trampoline_lowered:
0x8: {  	[smem:$0x3FAB] =	sst s0  }
0x9: {  	[smem:$0x3FAC] =	sst s1  }
0xa: {  	[smem:$0x3FAD] =	sst s2  }
0xb: {  	[smem:$0x3FAE] =	sst s3  }
0xc: {  	[smem:$0x3FAF] =	sst s4  }
0xd: {  	[smem:$0x3FB0] =	sst s5  }
0xe: {  	[smem:$0x3FB1] =	sst s6  }
0xf: {  	[smem:$0x3FB2] =	sst s7  }
0x10: {  	[smem:$0x3FB3] =	sst s8  }
0x11: {  	[smem:$0x3FB4] =	sst s9;
	s0 =	simm.s32 @!p0 $0x0  }
0x12: {  	s1 =	sld [smem:$0x3F9A];
	s0 =	simm.s32 @p0 $0x1  }
0x13: {  	[smem:$0x3FB5] =	sst s0;
	s0 =	simm.s32 @!p1 $0x0  }
0x14: {  	s2 =	sld [smem:$0x3F99];
	s0 =	simm.s32 @p1 $0x1  }
0x15: {  	[smem:$0x3FB6] =	sst s0;
	s0 =	simm.s32 @!p2 $0x0  }
0x16: {  	s3 =	sld [smem:$0x3FDB];
	s0 =	simm.s32 @p2 $0x1  }
0x17: {  	s4 =	simm.s32 $0x1BF5;
	[smem:$0x3FB8] =	sst s0  }
0x18: {  	s0 =	sld [smem:$0x3F9B];
	_ =	swait.ge [sflag:s4], $0x0  }
0x19: {  	s7 =	sld [smem:$0x3F9C]  }
0x1a: {  	s8 =	sadd.s32 $0xFFFFE003, lr  }
0x1b: {  	s9 =	sadd.s32 $0xFFFFFEF7, lr;
	s5 =	simm.s32 $0xFFFFFFFF;
	p2 =	slt.u32 s8, $0xFFFFF086  }
0x1c: {  	p1 =	slt.u32 s9, $0xF7A;
	s5 =	simm.s32 @!p2 $0x0  }
0x1d: {  	s5 =	simm.s32 @p1 $0x1;
	p0 =	seq.s32 s7, s2  }
0x1e: {  	s7 =	smul.u32 @!p0 $0xF7A, s2;
	p2 =	seq.s32 @!p0 s5, $0x0  }
0x1f: {  	s9 =	smul.u32 $0xF7A, s1;
	s8 =	simm.s32 @!p0 $0x1BF5;
	p2 =	por !p2, p0  }
0x20: {  	[sflag:s8] =	ssyncset.s32 @!p0 $0xFFFFF086;
	s6 =	sadd.s32 @!p0 s3, s7;
	s7 =	simm.s32 @!p0 $0x108  }
0x21: {  	s3 =	sadd.s32 s3, s9;
	s6 =	sadd.s32 @!p0 $0x88, s6;
	s7 =	simm.s32 @p2 $0x1082  }
0x22: {  	[simem:s7], [sflag:s8] =	dma.local @!p0 [hbm:s6], $0xF7A  }
0x23: {  	s9 =	sor.u32 $0xD0000000, s2;
	s6 =	simm.s32 $0x108;
	_ =	swait.ge @!p0 [sflag:s8], $0x0  }
0x24: {  	s3 =	sadd.s32 $0x88, s3;
	s6 =	simm.s32 @!p1 $0x1082;
	[sflag:s4] =	ssyncset.s32 $0xFFFFF086  }
0x25: {  	[simem:s6], [sflag:s4] =	dma.local [hbm:s3], $0xF7A  }
0x26: {  	[smem:$0x3F9C] =	sst s1;
	(tag) =	ssettag s2;
	_ =	strace s9  }
0x27: {  	s1 =	sld [smem:$0x3FAC]  }
0x28: {  	s2 =	sld [smem:$0x3FAD]  }
0x29: {  	s4 =	sld [smem:$0x3FAF]  }
0x2a: {  	p0 =	seq.s32 s5, $0x0;
	s5 =	sld [smem:$0x3FB0]  }
0x2b: {  	s6 =	sld [smem:$0x3FB1]  }
0x2c: {  	s7 =	sld [smem:$0x3FB2]  }
0x2d: {  	s3 =	simm.s32 $0x108;
	s8 =	sld [smem:$0x3FB3]  }
0x2e: {  	s3 =	simm.s32 @!p0 $0x1082;
	s9 =	sld [smem:$0x3FB4]  }
0x2f: {  	lr =	sadd.s32 s0, s3;
	s0 =	sld [smem:$0x3FAB]  }
0x30: {  	s3 =	sld [smem:$0x3FAE]  }
0x31: {  	[smem:$0x3FB7] =	sst s10  }
0x32: {  	s10 =	sld [smem:$0x3FB5];
	_ =	sdelay $0x3  }
0x33: {  	p0 =	seq.s32 s10, $0x1;
	s10 =	sld [smem:$0x3FB7];
	_ =	sdelay $0x3  }
0x34: {  	[smem:$0x3FB7] =	sst s10  }
0x35: {  	s10 =	sld [smem:$0x3FB6];
	_ =	sdelay $0x3  }
0x36: {  	p1 =	seq.s32 s10, $0x1;
	s10 =	sld [smem:$0x3FB7];
	_ =	sdelay $0x3  }
0x37: {  	[smem:$0x3FB7] =	sst s10  }
0x38: {  	s10 =	sld [smem:$0x3FB8]  }
0x39: {  	_ = 	snop;
	(pc) =	sbr.ind lr, $3  }
0x3a: {  	_ = 	snop  }
0x3b: {  	_ = 	snop  }
0x3c: {  	p2 =	seq.s32 s10, $0x1;
	s10 =	sld [smem:$0x3FB7]  }
0x3d: {  	_ =	shalt  }
0x3e: {  	_ =	shalt  }
0x3f: {  	_ =	shalt  }
0x40: {  	_ =	shalt  }
0x41: {  	_ =	shalt  }
0x42: {  	_ =	shalt  }
0x43: {  	_ =	shalt  }
0x44: {  	_ =	shalt  }
0x45: {  	_ =	shalt  }
0x46: {  	_ =	shalt  }
0x47: {  	_ =	shalt  }
0x48: {  	_ =	shalt  }
0x49: {  	_ =	shalt  }
0x4a: {  	_ =	shalt  }
0x4b: {  	_ =	shalt  }
0x4c: {  	_ =	shalt  }
0x4d: {  	_ =	shalt  }
0x4e: {  	_ =	shalt  }
0x4f: {  	_ =	shalt  }
0x50: {  	_ =	shalt  }
0x51: {  	_ =	shalt  }
0x52: {  	_ =	shalt  }
0x53: {  	_ =	shalt  }
0x54: {  	_ =	shalt  }
0x55: {  	_ =	shalt  }
0x56: {  	_ =	shalt  }
0x57: {  	_ =	shalt  }
0x58: {  	_ =	shalt  }
0x59: {  	_ =	shalt  }
0x5a: {  	_ =	shalt  }
0x5b: {  	_ =	shalt  }
0x5c: {  	_ =	shalt  }
0x5d: {  	_ =	shalt  }
0x5e: {  	_ =	shalt  }
0x5f: {  	_ =	shalt  }
0x60: {  	_ =	shalt  }
0x61: {  	_ =	shalt  }
0x62: {  	_ =	shalt  }
0x63: {  	_ =	shalt  }
0x64: {  	_ =	shalt  }
0x65: {  	_ =	shalt  }
0x66: {  	_ =	shalt  }
0x67: {  	_ =	shalt  }
0x68: {  	_ =	shalt  }
0x69: {  	_ =	shalt  }
0x6a: {  	_ =	shalt  }
0x6b: {  	_ =	shalt  }
0x6c: {  	_ =	shalt  }
0x6d: {  	_ =	shalt  }
0x6e: {  	_ =	shalt  }
0x6f: {  	_ =	shalt  }
0x70: {  	_ =	shalt  }
0x71: {  	_ =	shalt  }
0x72: {  	_ =	shalt  }
0x73: {  	_ =	shalt  }
0x74: {  	_ =	shalt  }
0x75: {  	_ =	shalt  }
0x76: {  	_ =	shalt  }
0x77: {  	_ =	shalt  }
0x78: {  	_ =	shalt  }
0x79: {  	_ =	shalt  }
0x7a: {  	_ =	shalt  }
0x7b: {  	_ =	shalt  }
0x7c: {  	_ =	shalt  }
0x7d: {  	_ =	shalt  }
0x7e: {  	_ =	shalt  }
0x7f: {  	_ =	shalt  }
0x80: {  	_ =	shalt  }
0x81: {  	_ =	shalt  }
0x82: {  	_ =	shalt  }
0x83: {  	_ =	shalt  }
0x84: {  	_ =	shalt  }
0x85: {  	_ =	shalt  }
0x86: {  	_ =	shalt  }
0x87: {  	_ =	shalt  }
.Lfunc_end0:
.L_simem_size_0:
called_computation.1_lowered:
.L_overlay_start_0:
0x88: {  	s2 =	sld [smem:$0x3FD9]  }
0x89: {  	s3 =	sld [smem:$0x3FFE];
	_ =	sdelay $0x1  }
0x8a: {  	s1 =	srdreg.scid  }
0x8b: {  	s0 =	sand.u32 $0x1, s1  }
0x8c: {  	s17 =	sshll.u32 s0, $0xA;
	s2 =	sadd.s32 s3, s2  }
0x8d: {  	s2 =	sadd.s32 s2, s17  }
0x8e: {  	[smem:$0x3FC3] =	sst s2  }
0x8f: {  	_ = 	snop  }
0x90: {  	(tm) =	ssettm $0x1  }
0x91: {  	s18 =	sld [smem:$0x3FFB];
	_ =	sdelay $0x3  }
0x92: {  	_ =	strace s18  }
0x93: {  	s2 =	sld [smem:$0x3FFC];
	_ =	sdelay $0x3  }
0x94: {  	_ =	strace s2  }
0x95: {  	s2 =	sld [smem:$0x3FFD];
	_ =	sdelay $0x3  }
0x96: {  	_ =	strace s2  }
0x97: {  	_ =	strace $0x8FFFFFFF  }
0x98: {  	s19 =	sld [smem:$0x3FDB];
	_ =	sdelay $0x1  }
0x99: {  	s20 =	simm.s32 $_scs_section_size  }
0x9a: {  	s4 =	simm.s32 $_size__tile_overlayer_lowered;
	s5 =	simm.s32 $_tile_overlayer_lowered  }
0x9b: {  	s6 =	simm.s32 $0x1BFF;
	s21 =	sshll.u32 s5, $0x1;
	s3 =	sadd.s32 s20, s19  }
0x9c: {  	s22 =	simm.s32 $0x0;
	s4 =	sshll.u32 s4, $0x1;
	s5 =	sadd.s32 s21, s3  }
0x9d: {  	[timem:s22], [sflag:s6] =	dma.local [hbm:s5], s4  }
0x9e: {  	_ =	swait.ge [sflag:s6], s4  }
0x9f: {  	s4 =	ssub.s32 $0x0, s4;
	[sflag:s6] =	ssyncset.done $0x0  }
0xa0: {  	[sflag:s6] =	ssyncadd.s32 s4;
	_ =	sdelay $0x1  }
0xa1: {  	s23 =	simm.s32 $0x1B8B  }
0xa2: {  	_ =	swait.ge [sflag:s23], $0x1  }
0xa3: {  	[sflag:s23] =	ssyncset.done $0x0  }
0xa4: {  	[sflag:s23] =	ssyncadd.s32 $0xFFFFFFFF  }
0xa5: {  	s4 =	sld [smem:$0x0]  }
0xa6: {  	s5 =	sand.u32 $0xFFFFFFFE, s1  }
0xa7: {  	p0 =	sne.s32 s1, s5  }
0xa8: {  	s5 =	sshll.u32 @p0 s5, $0xE  }
0xa9: {  	s5 =	sadd.s32 @p0 $0x11B8D, s5;
	s6 =	sshll.u32 @p0 s4, $0x11  }
0xaa: {  	s5 =	sor.u32 @p0 s6, s5  }
0xab: {  	[sflag:s5] =	ssyncadd.remote.s32 @p0 $0x1;
	_ =	sdelay $0x1  }
0xac: {  	s5 =	simm.s32 @p0 $0x1B8D  }
0xad: {  	_ =	swait.eq @p0 [sflag:s5], $0x1  }
0xae: {  	[sflag:s5] =	ssyncadd.s32 @p0 $0xFFFFFFFF  }
0xaf: {  	s6 =	sshll.u32 @!p0 s1, $0xE  }
0xb0: {  	s6 =	sor.u32 @!p0 $0x4000, s6;
	s5 =	simm.s32 @!p0 $0x1B8D  }
0xb1: {  	s4 =	sshll.u32 @!p0 s4, $0x11;
	s6 =	sadd.s32 @!p0 $0x11B8D, s6;
	_ =	swait.eq @!p0 [sflag:s5], $0x1  }
0xb2: {  	s4 =	sor.u32 @!p0 s4, s6;
	[sflag:s5] =	ssyncadd.s32 @!p0 $0xFFFFFFFF  }
0xb3: {  	s25 =	simm.s32 $0x1B8E;
	s24 =	sld [smem:$0x3FFE];
	[sflag:s4] =	ssyncadd.remote.s32 @!p0 $0x1  }
0xb4: {  	s26 =	simm.s32 $execute0_lowered;
	[smem:$0x3FD2] =	sst s25  }
0xb5: {  	s5 =	sshll.u32 s26, $0x1;
	_ =	strace $0x80000049;
	[dreg:$0x1] =	wrdreg $0xFFFFFFFF  }
0xb6: {  	s28 =	simm.s32 $_size_execute0_lowered;
	s3 =	sadd.s32 s3, s5;
	[dreg:$0x0] =	wrdreg $0x0  }
0xb7: {  	s5 =	sshll.u32 s28, $0x1;
	[dreg:$0x2] =	wrdreg s3  }
0xb8: {  	[dreg:$0x3] =	wrdreg s5  }
0xb9: {  	[dreg:$0x4] =	wrdreg $0xC0  }
0xba: {  	_ =	task [dreg:s22], $0x5FFFF  }
0xbb: {  	[dreg:$0x1] =	wrdreg $0xFFFFFFFF  }
0xbc: {  	[dreg:$0x0] =	wrdreg $0x60  }
0xbd: {  	[dreg:$0x2] =	wrdreg s24  }
0xbe: {  	[dreg:$0x3] =	wrdreg $0x9  }
0xbf: {  	_ =	task.clear_ibuf [dreg:s22], $0x4FFFF;
	_ =	strace $0x90000049  }
0xc0: {  	s29 =	simm.s32 $0x9;
	_ =	strace $0x8000004B  }
0xc1: {  	_ =	swait.ge [sflag:s29], $0x1  }
0xc2: {  	[sflag:s29] =	ssyncadd.s32 $0xFFFFFFFF  }
0xc3: {  	_ =	strace $0x9000004B  }
0xc4: {  	_ =	sfence  }
0xc5: {  	s30 =	sld [smem:$0x0];
	_ =	sdelay $0x2  }
0xc6: {  	s31 =	sshll.u32 s1, $0xD;
	s1 =	sshrl.u32 s1, $0x2  }
0xc7: {  	s4 =	sand.u32 $0x4000, s31;
	s1 =	sadd.s32 s1, s30  }
0xc8: {  	s0 =	sor.u32 s4, s0;
	s1 =	sshll.u32 s1, $0x11  }
0xc9: {  	s0 =	sor.u32 s1, s0  }
0xca: {  	s0 =	sadd.s32 $0x8F2B, s0  }
0xcb: {  	[sflag:s0] =	ssyncadd.remote.s32 $0x1  }
0xcc: {  	_ =	sfence.sel $0xFFFF  }
0xcd: {  	[dreg:$0x0] =	wrdreg $0xFFFFFFFF;
	(pc) =	sbr.abs _section_cstart, $3  }
0xce: {  	[dreg:$0x1] =	wrdreg $0xFFFFFFFF  }
0xcf: {  	_ =	task.clear_ibuf [dreg:s22], $0x2FFFF;
	_ =	strace $0x9FFFFFFF  }
0xd0: {  	(tm) =	ssettm $0x7FFFFFFF  }
0xd1: {  	_ =	shalt  }
tec
execute0_lowered:
.L_overlay_start_1:
0x0: {  	(tag) =	ssettag $0x1  }
0x1: {  	s1 =	srdreg.scid;
	s0 =	stileid.u32  }
0x2: {  	s6 =	sand.u32 $0x1, s1;
	s30 =	sshll.u32 s0, $0x1  }
0x3: {  	s9 =	rddreg [dreg:$0x0];
	s7 =	sor.u32 s6, s30  }
0x4: {  	s2 =	simm.s32 $0x0;
	s1 =	rddreg [dreg:$0x1];
	s3 =	smul.u32 $0xA, s7  }
0x5: {  	s8 =	simm.s32 $0x1;
	[smem:$0x7FF] =	sst s2;
	s5 =	sadd.s32 $0x53400, s9  }
0x6: {  	_ =	strace $0x8000004A;
	s11 =	ssub.s32 $0x2, s6;
	s3 =	sadd.s32 s3, s9  }
0x7: {  	s6 =	simm.s32 $0x50;
	s4 =	sadd.s32 $0xA3400, s3;
	s3 =	simm.s32 $0x2  }
0x8: {  	[tilespmem:s2], [sflag:$0x2] =	stream.linear.gather [hbm4b:s4+s2], $0x50, $0x38;
	[tilespmem:$0x2880] =	vst v63  }
0x9: {  	s10 =	smul.u32 $0x500, s7;
	s12 =	sshrl.u32 s11, $0x1;
	_ =	swait.ge [sflag:s3], $0x50  }
0xa: {  	s7 =	simm.s32 $0x80;
	s31 =	ssub.s32 s11, s12;
	[sflag:s3] =	ssyncset.done $0x0  }
0xb: {  	s9 =	sadd.s32 s10, s9;
	s10 =	smax.u32 s31, $0x1;
	[sflag:s3] =	ssyncadd.s32 $0xFFFFFFB0  }
0xc: {  	[tilespmem:s7], [sflag:$0x1] =	stream.indirect.gather [hbm4b:s5+s6], $0x80, s2, s6, $0xb8;
	[tilespmem:$0x2880] =	vst v63  }
0xd: {  	p0 =	sne.s32 s10, $0x1;
	_ =	swait.ge [sflag:s8], $0x2800  }
.Ltmp0:
0xe: {  	[sflag:s8] =	ssyncset.done $0x0;
	(pc) =	sbr.rel @!p0 .LBB2_2-.Ltmp0, $4  }
0xf: {  	s9 =	sadd.s32 $0xAD600, s9;
	[sflag:s8] =	ssyncadd.s32 $0xFFFFD800  }
0x10: {  	[hbm4b:s9+s2] =	stream.linear.scatter [tilespmem:s7], [sflag:$0x2], $0x2800, $0x38;
	[tilespmem:$0x2880] =	vst v63  }
0x11: {  	_ =	swait.ge [sflag:s3], $0x2800  }
0x12: {  	s10 =	sadd.s32 $0xFFFFFFFF, s10;
	[sflag:s3] =	ssyncset.done $0x0  }
.LBB2_1:
0x13: {  	p0 =	sne.s32 s10, $0x1;
	s10 =	sadd.s32 $0xFFFFFFFF, s10;
	[sflag:s3] =	ssyncadd.s32 $0xFFFFD800  }
0x14: {  	[tilespmem:s2], [sflag:$0x2] =	stream.linear.gather [hbm4b:s4+s2], $0x50, $0x38;
	[tilespmem:$0x2880] =	vst v63  }
0x15: {  	_ =	swait.ge [sflag:s3], $0x50  }
0x16: {  	[sflag:s3] =	ssyncset.done $0x0  }
0x17: {  	[sflag:s3] =	ssyncadd.s32 $0xFFFFFFB0  }
0x18: {  	[tilespmem:s7], [sflag:$0x1] =	stream.indirect.gather [hbm4b:s5+s6], $0x80, s2, s6, $0xb8;
	[tilespmem:$0x2880] =	vst v63  }
0x19: {  	_ =	swait.ge [sflag:s8], $0x2800  }
.Ltmp1:
0x1a: {  	[sflag:s8] =	ssyncset.done $0x0;
	(pc) =	sbr.rel @p0 .LBB2_1-.Ltmp1, $4  }
0x1b: {  	[sflag:s8] =	ssyncadd.s32 $0xFFFFD800  }
0x1c: {  	[hbm4b:s9+s2] =	stream.linear.scatter [tilespmem:s7], [sflag:$0x2], $0x2800, $0x38;
	[tilespmem:$0x2880] =	vst v63  }
0x1d: {  	_ =	swait.ge [sflag:s3], $0x2800  }
0x1e: {  	[sflag:s3] =	ssyncset.done $0x0  }
.LBB2_2:
0x1f: {  	[sflag:s3] =	ssyncadd.s32 $0xFFFFD800  }
0x20: {  	_ =	sfence.sel $0x180000  }
0x21: {  	[bflag:$0x0] =	sbarrier.arrive $0xFFFF  }
0x22: {  	p0 =	sne.s32 s0, $0x0;
	_ =	strace $0x9000004A  }
0x23: {  	s0 =	sadd.s32 @!p0 $0x100000, s1;
	[bflag:$0x2] =	sbarrier.arrive $0xFFFF  }
0x24: {  	[sflag:s0] =	ssyncadd.tile.s32 @!p0 $0x1;
	_ =	shalt  }
.Lfunc_end2:
_tile_overlayer_lowered:
.L_overlay_start_2:
0x25: {  	(tag) =	ssettag $0x2  }
0x26: {  	s0 =	rddreg [dreg:$0x0];
	s2 =	stileid.u32  }
0x27: {  	s1 =	rddreg [dreg:$0x1];
	p0 =	sne.s32 s2, $0x0  }
0x28: {  	s3 =	rddreg [dreg:$0x2];
	[bflag:$0x3] =	sbarrier.arrive $0xFFFF;
	s2 =	simm.s32 @!p0 $0x1C02  }
0x29: {  	[timem:s3], [sflag:s2] =	dma.local @!p0 [hbm:s0], s1  }
0x2a: {  	s0 =	simm.s32 @!p0 $0x2  }
0x2b: {  	_ =	swait.ge @!p0 [sflag:s0], s1  }
0x2c: {  	s1 =	ssub.s32 @!p0 $0x0, s1;
	[sflag:s0] =	ssyncset.done @!p0 $0x0  }
0x2d: {  	[sflag:s0] =	ssyncadd.s32 @!p0 s1  }
0x2e: {  	[bflag:$0x3] =	sbarrier.arrive $0xFFFF  }
0x2f: {  	_ =	shalt  }

// kernel: kernel.14.cloned.1.call-start
scs
__scs_entry_jumppad:
0x0: {  	(pc) =	sbr.rel $0x88, $3  }
0x1: {  	(tag) =	ssettag $0x0;
	lr =	simm.s32 $0x1  }
0x2: {  	[smem:$0x3F9C] =	sst lr;
	_ =	strace $0xD0000000  }
0x3: {  	_ = 	snop  }
0x4: {  	_ = 	snop  }
0x5: {  	_ = 	snop  }
0x6: {  	_ = 	snop  }
0x7: {  	_ = 	snop  }
__scs_overlays_trampoline_lowered:
0x8: {  	[smem:$0x3FAB] =	sst s0  }
0x9: {  	[smem:$0x3FAC] =	sst s1  }
0xa: {  	[smem:$0x3FAD] =	sst s2  }
0xb: {  	[smem:$0x3FAE] =	sst s3  }
0xc: {  	[smem:$0x3FAF] =	sst s4  }
0xd: {  	[smem:$0x3FB0] =	sst s5  }
0xe: {  	[smem:$0x3FB1] =	sst s6  }
0xf: {  	[smem:$0x3FB2] =	sst s7  }
0x10: {  	[smem:$0x3FB3] =	sst s8  }
0x11: {  	[smem:$0x3FB4] =	sst s9;
	s0 =	simm.s32 @!p0 $0x0  }
0x12: {  	s1 =	sld [smem:$0x3F9A];
	s0 =	simm.s32 @p0 $0x1  }
0x13: {  	[smem:$0x3FB5] =	sst s0;
	s0 =	simm.s32 @!p1 $0x0  }
0x14: {  	s2 =	sld [smem:$0x3F99];
	s0 =	simm.s32 @p1 $0x1  }
0x15: {  	[smem:$0x3FB6] =	sst s0;
	s0 =	simm.s32 @!p2 $0x0  }
0x16: {  	s3 =	sld [smem:$0x3FDB];
	s0 =	simm.s32 @p2 $0x1  }
0x17: {  	s4 =	simm.s32 $0x1BF5;
	[smem:$0x3FB8] =	sst s0  }
0x18: {  	s0 =	sld [smem:$0x3F9B];
	_ =	swait.ge [sflag:s4], $0x0  }
0x19: {  	s7 =	sld [smem:$0x3F9C]  }
0x1a: {  	s8 =	sadd.s32 $0xFFFFE003, lr  }
0x1b: {  	s9 =	sadd.s32 $0xFFFFFEF7, lr;
	s5 =	simm.s32 $0xFFFFFFFF;
	p2 =	slt.u32 s8, $0xFFFFF086  }
0x1c: {  	p1 =	slt.u32 s9, $0xF7A;
	s5 =	simm.s32 @!p2 $0x0  }
0x1d: {  	s5 =	simm.s32 @p1 $0x1;
	p0 =	seq.s32 s7, s2  }
0x1e: {  	s7 =	smul.u32 @!p0 $0xF7A, s2;
	p2 =	seq.s32 @!p0 s5, $0x0  }
0x1f: {  	s9 =	smul.u32 $0xF7A, s1;
	s8 =	simm.s32 @!p0 $0x1BF5;
	p2 =	por !p2, p0  }
0x20: {  	[sflag:s8] =	ssyncset.s32 @!p0 $0xFFFFF086;
	s6 =	sadd.s32 @!p0 s3, s7;
	s7 =	simm.s32 @!p0 $0x108  }
0x21: {  	s3 =	sadd.s32 s3, s9;
	s6 =	sadd.s32 @!p0 $0x88, s6;
	s7 =	simm.s32 @p2 $0x1082  }
0x22: {  	[simem:s7], [sflag:s8] =	dma.local @!p0 [hbm:s6], $0xF7A  }
0x23: {  	s9 =	sor.u32 $0xD0000000, s2;
	s6 =	simm.s32 $0x108;
	_ =	swait.ge @!p0 [sflag:s8], $0x0  }
0x24: {  	s3 =	sadd.s32 $0x88, s3;
	s6 =	simm.s32 @!p1 $0x1082;
	[sflag:s4] =	ssyncset.s32 $0xFFFFF086  }
0x25: {  	[simem:s6], [sflag:s4] =	dma.local [hbm:s3], $0xF7A  }
0x26: {  	[smem:$0x3F9C] =	sst s1;
	(tag) =	ssettag s2;
	_ =	strace s9  }
0x27: {  	s1 =	sld [smem:$0x3FAC]  }
0x28: {  	s2 =	sld [smem:$0x3FAD]  }
0x29: {  	s4 =	sld [smem:$0x3FAF]  }
0x2a: {  	p0 =	seq.s32 s5, $0x0;
	s5 =	sld [smem:$0x3FB0]  }
0x2b: {  	s6 =	sld [smem:$0x3FB1]  }
0x2c: {  	s7 =	sld [smem:$0x3FB2]  }
0x2d: {  	s3 =	simm.s32 $0x108;
	s8 =	sld [smem:$0x3FB3]  }
0x2e: {  	s3 =	simm.s32 @!p0 $0x1082;
	s9 =	sld [smem:$0x3FB4]  }
0x2f: {  	lr =	sadd.s32 s0, s3;
	s0 =	sld [smem:$0x3FAB]  }
0x30: {  	s3 =	sld [smem:$0x3FAE]  }
0x31: {  	[smem:$0x3FB7] =	sst s10  }
0x32: {  	s10 =	sld [smem:$0x3FB5];
	_ =	sdelay $0x3  }
0x33: {  	p0 =	seq.s32 s10, $0x1;
	s10 =	sld [smem:$0x3FB7];
	_ =	sdelay $0x3  }
0x34: {  	[smem:$0x3FB7] =	sst s10  }
0x35: {  	s10 =	sld [smem:$0x3FB6];
	_ =	sdelay $0x3  }
0x36: {  	p1 =	seq.s32 s10, $0x1;
	s10 =	sld [smem:$0x3FB7];
	_ =	sdelay $0x3  }
0x37: {  	[smem:$0x3FB7] =	sst s10  }
0x38: {  	s10 =	sld [smem:$0x3FB8]  }
0x39: {  	_ = 	snop;
	(pc) =	sbr.ind lr, $3  }
0x3a: {  	_ = 	snop  }
0x3b: {  	_ = 	snop  }
0x3c: {  	p2 =	seq.s32 s10, $0x1;
	s10 =	sld [smem:$0x3FB7]  }
0x3d: {  	_ =	shalt  }
0x3e: {  	_ =	shalt  }
0x3f: {  	_ =	shalt  }
0x40: {  	_ =	shalt  }
0x41: {  	_ =	shalt  }
0x42: {  	_ =	shalt  }
0x43: {  	_ =	shalt  }
0x44: {  	_ =	shalt  }
0x45: {  	_ =	shalt  }
0x46: {  	_ =	shalt  }
0x47: {  	_ =	shalt  }
0x48: {  	_ =	shalt  }
0x49: {  	_ =	shalt  }
0x4a: {  	_ =	shalt  }
0x4b: {  	_ =	shalt  }
0x4c: {  	_ =	shalt  }
0x4d: {  	_ =	shalt  }
0x4e: {  	_ =	shalt  }
0x4f: {  	_ =	shalt  }
0x50: {  	_ =	shalt  }
0x51: {  	_ =	shalt  }
0x52: {  	_ =	shalt  }
0x53: {  	_ =	shalt  }
0x54: {  	_ =	shalt  }
0x55: {  	_ =	shalt  }
0x56: {  	_ =	shalt  }
0x57: {  	_ =	shalt  }
0x58: {  	_ =	shalt  }
0x59: {  	_ =	shalt  }
0x5a: {  	_ =	shalt  }
0x5b: {  	_ =	shalt  }
0x5c: {  	_ =	shalt  }
0x5d: {  	_ =	shalt  }
0x5e: {  	_ =	shalt  }
0x5f: {  	_ =	shalt  }
0x60: {  	_ =	shalt  }
0x61: {  	_ =	shalt  }
0x62: {  	_ =	shalt  }
0x63: {  	_ =	shalt  }
0x64: {  	_ =	shalt  }
0x65: {  	_ =	shalt  }
0x66: {  	_ =	shalt  }
0x67: {  	_ =	shalt  }
0x68: {  	_ =	shalt  }
0x69: {  	_ =	shalt  }
0x6a: {  	_ =	shalt  }
0x6b: {  	_ =	shalt  }
0x6c: {  	_ =	shalt  }
0x6d: {  	_ =	shalt  }
0x6e: {  	_ =	shalt  }
0x6f: {  	_ =	shalt  }
0x70: {  	_ =	shalt  }
0x71: {  	_ =	shalt  }
0x72: {  	_ =	shalt  }
0x73: {  	_ =	shalt  }
0x74: {  	_ =	shalt  }
0x75: {  	_ =	shalt  }
0x76: {  	_ =	shalt  }
0x77: {  	_ =	shalt  }
0x78: {  	_ =	shalt  }
0x79: {  	_ =	shalt  }
0x7a: {  	_ =	shalt  }
0x7b: {  	_ =	shalt  }
0x7c: {  	_ =	shalt  }
0x7d: {  	_ =	shalt  }
0x7e: {  	_ =	shalt  }
0x7f: {  	_ =	shalt  }
0x80: {  	_ =	shalt  }
0x81: {  	_ =	shalt  }
0x82: {  	_ =	shalt  }
0x83: {  	_ =	shalt  }
0x84: {  	_ =	shalt  }
0x85: {  	_ =	shalt  }
0x86: {  	_ =	shalt  }
0x87: {  	_ =	shalt  }
.Lfunc_end0:
.L_simem_size_0:
called_computation.2_lowered:
.L_overlay_start_0:
0x88: {  	s2 =	sld [smem:$0x3FD9]  }
0x89: {  	s3 =	sld [smem:$0x3FFE];
	_ =	sdelay $0x1  }
0x8a: {  	s1 =	srdreg.scid  }
0x8b: {  	s0 =	sand.u32 $0x1, s1  }
0x8c: {  	s17 =	sshll.u32 s0, $0xA;
	s2 =	sadd.s32 s3, s2  }
0x8d: {  	s2 =	sadd.s32 s2, s17  }
0x8e: {  	[smem:$0x3FC3] =	sst s2  }
0x8f: {  	_ = 	snop  }
0x90: {  	(tm) =	ssettm $0x1  }
0x91: {  	s18 =	sld [smem:$0x3FFB];
	_ =	sdelay $0x3  }
0x92: {  	_ =	strace s18  }
0x93: {  	s2 =	sld [smem:$0x3FFC];
	_ =	sdelay $0x3  }
0x94: {  	_ =	strace s2  }
0x95: {  	s2 =	sld [smem:$0x3FFD];
	_ =	sdelay $0x3  }
0x96: {  	_ =	strace s2  }
0x97: {  	_ =	strace $0x8FFFFFFF  }
0x98: {  	s19 =	sld [smem:$0x3FDB];
	_ =	sdelay $0x1  }
0x99: {  	s20 =	simm.s32 $_scs_section_size  }
0x9a: {  	s4 =	simm.s32 $_size__tile_overlayer_lowered;
	s5 =	simm.s32 $_tile_overlayer_lowered  }
0x9b: {  	s6 =	simm.s32 $0x1BFF;
	s21 =	sshll.u32 s5, $0x1;
	s3 =	sadd.s32 s20, s19  }
0x9c: {  	s22 =	simm.s32 $0x0;
	s4 =	sshll.u32 s4, $0x1;
	s5 =	sadd.s32 s21, s3  }
0x9d: {  	[timem:s22], [sflag:s6] =	dma.local [hbm:s5], s4  }
0x9e: {  	_ =	swait.ge [sflag:s6], s4  }
0x9f: {  	s4 =	ssub.s32 $0x0, s4;
	[sflag:s6] =	ssyncset.done $0x0  }
0xa0: {  	[sflag:s6] =	ssyncadd.s32 s4;
	_ =	sdelay $0x1  }
0xa1: {  	s23 =	simm.s32 $0x1B8B  }
0xa2: {  	_ =	swait.ge [sflag:s23], $0x1  }
0xa3: {  	[sflag:s23] =	ssyncset.done $0x0  }
0xa4: {  	[sflag:s23] =	ssyncadd.s32 $0xFFFFFFFF  }
0xa5: {  	s4 =	sld [smem:$0x0]  }
0xa6: {  	s5 =	sand.u32 $0xFFFFFFFE, s1  }
0xa7: {  	p0 =	sne.s32 s1, s5  }
0xa8: {  	s5 =	sshll.u32 @p0 s5, $0xE  }
0xa9: {  	s5 =	sadd.s32 @p0 $0x11B8D, s5;
	s6 =	sshll.u32 @p0 s4, $0x11  }
0xaa: {  	s5 =	sor.u32 @p0 s6, s5  }
0xab: {  	[sflag:s5] =	ssyncadd.remote.s32 @p0 $0x1;
	_ =	sdelay $0x1  }
0xac: {  	s5 =	simm.s32 @p0 $0x1B8D  }
0xad: {  	_ =	swait.eq @p0 [sflag:s5], $0x1  }
0xae: {  	[sflag:s5] =	ssyncadd.s32 @p0 $0xFFFFFFFF  }
0xaf: {  	s6 =	sshll.u32 @!p0 s1, $0xE  }
0xb0: {  	s6 =	sor.u32 @!p0 $0x4000, s6;
	s5 =	simm.s32 @!p0 $0x1B8D  }
0xb1: {  	s4 =	sshll.u32 @!p0 s4, $0x11;
	s6 =	sadd.s32 @!p0 $0x11B8D, s6;
	_ =	swait.eq @!p0 [sflag:s5], $0x1  }
0xb2: {  	s4 =	sor.u32 @!p0 s4, s6;
	[sflag:s5] =	ssyncadd.s32 @!p0 $0xFFFFFFFF  }
0xb3: {  	s25 =	simm.s32 $0x1B8E;
	s24 =	sld [smem:$0x3FFE];
	[sflag:s4] =	ssyncadd.remote.s32 @!p0 $0x1  }
0xb4: {  	s26 =	simm.s32 $execute0_lowered;
	[smem:$0x3FD2] =	sst s25  }
0xb5: {  	s5 =	sshll.u32 s26, $0x1;
	_ =	strace $0x8000004C;
	[dreg:$0x1] =	wrdreg $0xFFFFFFFF  }
0xb6: {  	s28 =	simm.s32 $_size_execute0_lowered;
	s3 =	sadd.s32 s3, s5;
	[dreg:$0x0] =	wrdreg $0x0  }
0xb7: {  	s5 =	sshll.u32 s28, $0x1;
	[dreg:$0x2] =	wrdreg s3  }
0xb8: {  	[dreg:$0x3] =	wrdreg s5  }
0xb9: {  	[dreg:$0x4] =	wrdreg $0xC0  }
0xba: {  	_ =	task [dreg:s22], $0x5FFFF  }
0xbb: {  	[dreg:$0x1] =	wrdreg $0xFFFFFFFF  }
0xbc: {  	[dreg:$0x0] =	wrdreg $0x60  }
0xbd: {  	[dreg:$0x2] =	wrdreg s24  }
0xbe: {  	[dreg:$0x3] =	wrdreg $0xA  }
0xbf: {  	_ =	task.clear_ibuf [dreg:s22], $0x4FFFF;
	_ =	strace $0x9000004C  }
0xc0: {  	s29 =	simm.s32 $0xA;
	_ =	strace $0x8000004E  }
0xc1: {  	_ =	swait.ge [sflag:s29], $0x1  }
0xc2: {  	[sflag:s29] =	ssyncadd.s32 $0xFFFFFFFF  }
0xc3: {  	_ =	strace $0x9000004E  }
0xc4: {  	_ =	sfence  }
0xc5: {  	s30 =	sld [smem:$0x0];
	_ =	sdelay $0x2  }
0xc6: {  	s31 =	sshll.u32 s1, $0xD;
	s1 =	sshrl.u32 s1, $0x2  }
0xc7: {  	s4 =	sand.u32 $0x4000, s31;
	s1 =	sadd.s32 s1, s30  }
0xc8: {  	s0 =	sor.u32 s4, s0;
	s1 =	sshll.u32 s1, $0x11  }
0xc9: {  	s0 =	sor.u32 s1, s0  }
0xca: {  	s0 =	sadd.s32 $0x8F2B, s0  }
0xcb: {  	[sflag:s0] =	ssyncadd.remote.s32 $0x1  }
0xcc: {  	_ =	sfence.sel $0xFFFF  }
0xcd: {  	[dreg:$0x0] =	wrdreg $0xFFFFFFFF;
	(pc) =	sbr.abs _section_cstart, $3  }
0xce: {  	[dreg:$0x1] =	wrdreg $0xFFFFFFFF  }
0xcf: {  	_ =	task.clear_ibuf [dreg:s22], $0x2FFFF;
	_ =	strace $0x9FFFFFFF  }
0xd0: {  	(tm) =	ssettm $0x7FFFFFFF  }
0xd1: {  	_ =	shalt  }
tec
execute0_lowered:
.L_overlay_start_1:
0x0: {  	(tag) =	ssettag $0x1  }
0x1: {  	s1 =	srdreg.scid;
	s0 =	stileid.u32  }
0x2: {  	s6 =	sand.u32 $0x1, s1;
	s30 =	sshll.u32 s0, $0x1  }
0x3: {  	s9 =	rddreg [dreg:$0x0];
	s7 =	sor.u32 s6, s30  }
0x4: {  	s2 =	simm.s32 $0x0;
	s1 =	rddreg [dreg:$0x1];
	s3 =	smul.u32 $0x32, s7  }
0x5: {  	s8 =	simm.s32 $0x1;
	[smem:$0x7FF] =	sst s2;
	s5 =	sadd.s32 $0x53400, s9  }
0x6: {  	_ =	strace $0x8000004D;
	s11 =	ssub.s32 $0x2, s6;
	s3 =	sadd.s32 s3, s9  }
0x7: {  	s6 =	simm.s32 $0x190;
	s4 =	sadd.s32 $0xA3600, s3;
	s3 =	simm.s32 $0x2  }
0x8: {  	[tilespmem:s2], [sflag:$0x2] =	stream.linear.gather [hbm4b:s4+s2], $0x190, $0x38;
	[tilespmem:$0xCA00] =	vst v63  }
0x9: {  	s10 =	smul.u32 $0x1900, s7;
	s12 =	sshrl.u32 s11, $0x1;
	_ =	swait.ge [sflag:s3], $0x190  }
0xa: {  	s7 =	simm.s32 $0x200;
	s31 =	ssub.s32 s11, s12;
	[sflag:s3] =	ssyncset.done $0x0  }
0xb: {  	s9 =	sadd.s32 s10, s9;
	s10 =	smax.u32 s31, $0x1;
	[sflag:s3] =	ssyncadd.s32 $0xFFFFFE70  }
0xc: {  	[tilespmem:s7], [sflag:$0x1] =	stream.indirect.gather [hbm4b:s5+s6], $0x80, s2, s6, $0xb8;
	[tilespmem:$0xCA00] =	vst v63  }
0xd: {  	p0 =	sne.s32 s10, $0x1;
	_ =	swait.ge [sflag:s8], $0xC800  }
.Ltmp0:
0xe: {  	[sflag:s8] =	ssyncset.done $0x0;
	(pc) =	sbr.rel @!p0 .LBB2_2-.Ltmp0, $4  }
0xf: {  	s9 =	sadd.s32 $0x3400, s9;
	[sflag:s8] =	ssyncadd.s32 $0xFFFF3800  }
0x10: {  	[hbm4b:s9+s2] =	stream.linear.scatter [tilespmem:s7], [sflag:$0x2], $0xC800, $0x38;
	[tilespmem:$0xCA00] =	vst v63  }
0x11: {  	_ =	swait.ge [sflag:s3], $0xC800  }
0x12: {  	s10 =	sadd.s32 $0xFFFFFFFF, s10;
	[sflag:s3] =	ssyncset.done $0x0  }
.LBB2_1:
0x13: {  	p0 =	sne.s32 s10, $0x1;
	s10 =	sadd.s32 $0xFFFFFFFF, s10;
	[sflag:s3] =	ssyncadd.s32 $0xFFFF3800  }
0x14: {  	[tilespmem:s2], [sflag:$0x2] =	stream.linear.gather [hbm4b:s4+s2], $0x190, $0x38;
	[tilespmem:$0xCA00] =	vst v63  }
0x15: {  	_ =	swait.ge [sflag:s3], $0x190  }
0x16: {  	[sflag:s3] =	ssyncset.done $0x0  }
0x17: {  	[sflag:s3] =	ssyncadd.s32 $0xFFFFFE70  }
0x18: {  	[tilespmem:s7], [sflag:$0x1] =	stream.indirect.gather [hbm4b:s5+s6], $0x80, s2, s6, $0xb8;
	[tilespmem:$0xCA00] =	vst v63  }
0x19: {  	_ =	swait.ge [sflag:s8], $0xC800  }
.Ltmp1:
0x1a: {  	[sflag:s8] =	ssyncset.done $0x0;
	(pc) =	sbr.rel @p0 .LBB2_1-.Ltmp1, $4  }
0x1b: {  	[sflag:s8] =	ssyncadd.s32 $0xFFFF3800  }
0x1c: {  	[hbm4b:s9+s2] =	stream.linear.scatter [tilespmem:s7], [sflag:$0x2], $0xC800, $0x38;
	[tilespmem:$0xCA00] =	vst v63  }
0x1d: {  	_ =	swait.ge [sflag:s3], $0xC800  }
0x1e: {  	[sflag:s3] =	ssyncset.done $0x0  }
.LBB2_2:
0x1f: {  	[sflag:s3] =	ssyncadd.s32 $0xFFFF3800  }
0x20: {  	_ =	sfence.sel $0x180000  }
0x21: {  	[bflag:$0x0] =	sbarrier.arrive $0xFFFF  }
0x22: {  	p0 =	sne.s32 s0, $0x0;
	_ =	strace $0x9000004D  }
0x23: {  	s0 =	sadd.s32 @!p0 $0x100000, s1;
	[bflag:$0x2] =	sbarrier.arrive $0xFFFF  }
0x24: {  	[sflag:s0] =	ssyncadd.tile.s32 @!p0 $0x1;
	_ =	shalt  }
.Lfunc_end2:
_tile_overlayer_lowered:
.L_overlay_start_2:
0x25: {  	(tag) =	ssettag $0x2  }
0x26: {  	s0 =	rddreg [dreg:$0x0];
	s2 =	stileid.u32  }
0x27: {  	s1 =	rddreg [dreg:$0x1];
	p0 =	sne.s32 s2, $0x0  }
0x28: {  	s3 =	rddreg [dreg:$0x2];
	[bflag:$0x3] =	sbarrier.arrive $0xFFFF;
	s2 =	simm.s32 @!p0 $0x1C02  }
0x29: {  	[timem:s3], [sflag:s2] =	dma.local @!p0 [hbm:s0], s1  }
0x2a: {  	s0 =	simm.s32 @!p0 $0x2  }
0x2b: {  	_ =	swait.ge @!p0 [sflag:s0], s1  }
0x2c: {  	s1 =	ssub.s32 @!p0 $0x0, s1;
	[sflag:s0] =	ssyncset.done @!p0 $0x0  }
0x2d: {  	[sflag:s0] =	ssyncadd.s32 @!p0 s1  }
0x2e: {  	[bflag:$0x3] =	sbarrier.arrive $0xFFFF  }
0x2f: {  	_ =	shalt  }

// kernel: kernel.8.cloned.1.call-start
scs
__scs_entry_jumppad:
0x0: {  	(pc) =	sbr.rel $0x88, $3  }
0x1: {  	(tag) =	ssettag $0x0;
	lr =	simm.s32 $0x1  }
0x2: {  	[smem:$0x3F9C] =	sst lr;
	_ =	strace $0xD0000000  }
0x3: {  	_ = 	snop  }
0x4: {  	_ = 	snop  }
0x5: {  	_ = 	snop  }
0x6: {  	_ = 	snop  }
0x7: {  	_ = 	snop  }
__scs_overlays_trampoline_lowered:
0x8: {  	[smem:$0x3FAB] =	sst s0  }
0x9: {  	[smem:$0x3FAC] =	sst s1  }
0xa: {  	[smem:$0x3FAD] =	sst s2  }
0xb: {  	[smem:$0x3FAE] =	sst s3  }
0xc: {  	[smem:$0x3FAF] =	sst s4  }
0xd: {  	[smem:$0x3FB0] =	sst s5  }
0xe: {  	[smem:$0x3FB1] =	sst s6  }
0xf: {  	[smem:$0x3FB2] =	sst s7  }
0x10: {  	[smem:$0x3FB3] =	sst s8  }
0x11: {  	[smem:$0x3FB4] =	sst s9;
	s0 =	simm.s32 @!p0 $0x0  }
0x12: {  	s1 =	sld [smem:$0x3F9A];
	s0 =	simm.s32 @p0 $0x1  }
0x13: {  	[smem:$0x3FB5] =	sst s0;
	s0 =	simm.s32 @!p1 $0x0  }
0x14: {  	s2 =	sld [smem:$0x3F99];
	s0 =	simm.s32 @p1 $0x1  }
0x15: {  	[smem:$0x3FB6] =	sst s0;
	s0 =	simm.s32 @!p2 $0x0  }
0x16: {  	s3 =	sld [smem:$0x3FDB];
	s0 =	simm.s32 @p2 $0x1  }
0x17: {  	s4 =	simm.s32 $0x1BF5;
	[smem:$0x3FB8] =	sst s0  }
0x18: {  	s0 =	sld [smem:$0x3F9B];
	_ =	swait.ge [sflag:s4], $0x0  }
0x19: {  	s7 =	sld [smem:$0x3F9C]  }
0x1a: {  	s8 =	sadd.s32 $0xFFFFE003, lr  }
0x1b: {  	s9 =	sadd.s32 $0xFFFFFEF7, lr;
	s5 =	simm.s32 $0xFFFFFFFF;
	p2 =	slt.u32 s8, $0xFFFFF086  }
0x1c: {  	p1 =	slt.u32 s9, $0xF7A;
	s5 =	simm.s32 @!p2 $0x0  }
0x1d: {  	s5 =	simm.s32 @p1 $0x1;
	p0 =	seq.s32 s7, s2  }
0x1e: {  	s7 =	smul.u32 @!p0 $0xF7A, s2;
	p2 =	seq.s32 @!p0 s5, $0x0  }
0x1f: {  	s9 =	smul.u32 $0xF7A, s1;
	s8 =	simm.s32 @!p0 $0x1BF5;
	p2 =	por !p2, p0  }
0x20: {  	[sflag:s8] =	ssyncset.s32 @!p0 $0xFFFFF086;
	s6 =	sadd.s32 @!p0 s3, s7;
	s7 =	simm.s32 @!p0 $0x108  }
0x21: {  	s3 =	sadd.s32 s3, s9;
	s6 =	sadd.s32 @!p0 $0x88, s6;
	s7 =	simm.s32 @p2 $0x1082  }
0x22: {  	[simem:s7], [sflag:s8] =	dma.local @!p0 [hbm:s6], $0xF7A  }
0x23: {  	s9 =	sor.u32 $0xD0000000, s2;
	s6 =	simm.s32 $0x108;
	_ =	swait.ge @!p0 [sflag:s8], $0x0  }
0x24: {  	s3 =	sadd.s32 $0x88, s3;
	s6 =	simm.s32 @!p1 $0x1082;
	[sflag:s4] =	ssyncset.s32 $0xFFFFF086  }
0x25: {  	[simem:s6], [sflag:s4] =	dma.local [hbm:s3], $0xF7A  }
0x26: {  	[smem:$0x3F9C] =	sst s1;
	(tag) =	ssettag s2;
	_ =	strace s9  }
0x27: {  	s1 =	sld [smem:$0x3FAC]  }
0x28: {  	s2 =	sld [smem:$0x3FAD]  }
0x29: {  	s4 =	sld [smem:$0x3FAF]  }
0x2a: {  	p0 =	seq.s32 s5, $0x0;
	s5 =	sld [smem:$0x3FB0]  }
0x2b: {  	s6 =	sld [smem:$0x3FB1]  }
0x2c: {  	s7 =	sld [smem:$0x3FB2]  }
0x2d: {  	s3 =	simm.s32 $0x108;
	s8 =	sld [smem:$0x3FB3]  }
0x2e: {  	s3 =	simm.s32 @!p0 $0x1082;
	s9 =	sld [smem:$0x3FB4]  }
0x2f: {  	lr =	sadd.s32 s0, s3;
	s0 =	sld [smem:$0x3FAB]  }
0x30: {  	s3 =	sld [smem:$0x3FAE]  }
0x31: {  	[smem:$0x3FB7] =	sst s10  }
0x32: {  	s10 =	sld [smem:$0x3FB5];
	_ =	sdelay $0x3  }
0x33: {  	p0 =	seq.s32 s10, $0x1;
	s10 =	sld [smem:$0x3FB7];
	_ =	sdelay $0x3  }
0x34: {  	[smem:$0x3FB7] =	sst s10  }
0x35: {  	s10 =	sld [smem:$0x3FB6];
	_ =	sdelay $0x3  }
0x36: {  	p1 =	seq.s32 s10, $0x1;
	s10 =	sld [smem:$0x3FB7];
	_ =	sdelay $0x3  }
0x37: {  	[smem:$0x3FB7] =	sst s10  }
0x38: {  	s10 =	sld [smem:$0x3FB8]  }
0x39: {  	_ = 	snop;
	(pc) =	sbr.ind lr, $3  }
0x3a: {  	_ = 	snop  }
0x3b: {  	_ = 	snop  }
0x3c: {  	p2 =	seq.s32 s10, $0x1;
	s10 =	sld [smem:$0x3FB7]  }
0x3d: {  	_ =	shalt  }
0x3e: {  	_ =	shalt  }
0x3f: {  	_ =	shalt  }
0x40: {  	_ =	shalt  }
0x41: {  	_ =	shalt  }
0x42: {  	_ =	shalt  }
0x43: {  	_ =	shalt  }
0x44: {  	_ =	shalt  }
0x45: {  	_ =	shalt  }
0x46: {  	_ =	shalt  }
0x47: {  	_ =	shalt  }
0x48: {  	_ =	shalt  }
0x49: {  	_ =	shalt  }
0x4a: {  	_ =	shalt  }
0x4b: {  	_ =	shalt  }
0x4c: {  	_ =	shalt  }
0x4d: {  	_ =	shalt  }
0x4e: {  	_ =	shalt  }
0x4f: {  	_ =	shalt  }
0x50: {  	_ =	shalt  }
0x51: {  	_ =	shalt  }
0x52: {  	_ =	shalt  }
0x53: {  	_ =	shalt  }
0x54: {  	_ =	shalt  }
0x55: {  	_ =	shalt  }
0x56: {  	_ =	shalt  }
0x57: {  	_ =	shalt  }
0x58: {  	_ =	shalt  }
0x59: {  	_ =	shalt  }
0x5a: {  	_ =	shalt  }
0x5b: {  	_ =	shalt  }
0x5c: {  	_ =	shalt  }
0x5d: {  	_ =	shalt  }
0x5e: {  	_ =	shalt  }
0x5f: {  	_ =	shalt  }
0x60: {  	_ =	shalt  }
0x61: {  	_ =	shalt  }
0x62: {  	_ =	shalt  }
0x63: {  	_ =	shalt  }
0x64: {  	_ =	shalt  }
0x65: {  	_ =	shalt  }
0x66: {  	_ =	shalt  }
0x67: {  	_ =	shalt  }
0x68: {  	_ =	shalt  }
0x69: {  	_ =	shalt  }
0x6a: {  	_ =	shalt  }
0x6b: {  	_ =	shalt  }
0x6c: {  	_ =	shalt  }
0x6d: {  	_ =	shalt  }
0x6e: {  	_ =	shalt  }
0x6f: {  	_ =	shalt  }
0x70: {  	_ =	shalt  }
0x71: {  	_ =	shalt  }
0x72: {  	_ =	shalt  }
0x73: {  	_ =	shalt  }
0x74: {  	_ =	shalt  }
0x75: {  	_ =	shalt  }
0x76: {  	_ =	shalt  }
0x77: {  	_ =	shalt  }
0x78: {  	_ =	shalt  }
0x79: {  	_ =	shalt  }
0x7a: {  	_ =	shalt  }
0x7b: {  	_ =	shalt  }
0x7c: {  	_ =	shalt  }
0x7d: {  	_ =	shalt  }
0x7e: {  	_ =	shalt  }
0x7f: {  	_ =	shalt  }
0x80: {  	_ =	shalt  }
0x81: {  	_ =	shalt  }
0x82: {  	_ =	shalt  }
0x83: {  	_ =	shalt  }
0x84: {  	_ =	shalt  }
0x85: {  	_ =	shalt  }
0x86: {  	_ =	shalt  }
0x87: {  	_ =	shalt  }
.Lfunc_end0:
.L_simem_size_0:
called_computation_lowered:
.L_overlay_start_0:
0x88: {  	s2 =	sld [smem:$0x3FD9]  }
0x89: {  	s3 =	sld [smem:$0x3FFE];
	_ =	sdelay $0x1  }
0x8a: {  	s1 =	srdreg.scid  }
0x8b: {  	s0 =	sand.u32 $0x1, s1  }
0x8c: {  	s16 =	sshll.u32 s0, $0xA;
	s2 =	sadd.s32 s3, s2  }
0x8d: {  	s2 =	sadd.s32 s2, s16  }
0x8e: {  	[smem:$0x3FC3] =	sst s2  }
0x8f: {  	_ = 	snop  }
0x90: {  	(tm) =	ssettm $0x1  }
0x91: {  	s17 =	sld [smem:$0x3FFB];
	_ =	sdelay $0x3  }
0x92: {  	_ =	strace s17  }
0x93: {  	s2 =	sld [smem:$0x3FFC];
	_ =	sdelay $0x3  }
0x94: {  	_ =	strace s2  }
0x95: {  	s2 =	sld [smem:$0x3FFD];
	_ =	sdelay $0x3  }
0x96: {  	_ =	strace s2  }
0x97: {  	_ =	strace $0x8FFFFFFF  }
0x98: {  	s18 =	sld [smem:$0x3FDB];
	_ =	sdelay $0x1  }
0x99: {  	s19 =	simm.s32 $_scs_section_size  }
0x9a: {  	s4 =	simm.s32 $_size__tile_overlayer_lowered;
	s5 =	simm.s32 $_tile_overlayer_lowered  }
0x9b: {  	s22 =	simm.s32 $0x1BFF;
	s21 =	sshll.u32 s5, $0x1;
	s2 =	sadd.s32 s19, s18  }
0x9c: {  	s6 =	simm.s32 $0x0;
	s20 =	sshll.u32 s4, $0x1;
	s4 =	sadd.s32 s21, s2  }
0x9d: {  	[timem:s6], [sflag:s22] =	dma.local [hbm:s4], s20  }
0x9e: {  	_ =	swait.ge [sflag:s22], s20  }
0x9f: {  	s3 =	ssub.s32 $0x0, s20;
	[sflag:s22] =	ssyncset.done $0x0  }
0xa0: {  	[sflag:s22] =	ssyncadd.s32 s3;
	_ =	sdelay $0x1  }
0xa1: {  	s23 =	simm.s32 $0x1B8B  }
0xa2: {  	_ =	swait.ge [sflag:s23], $0x1  }
0xa3: {  	[sflag:s23] =	ssyncset.done $0x0  }
0xa4: {  	s25 =	simm.s32 $0x1B8E;
	s24 =	sld [smem:$0x3FFE];
	[sflag:s23] =	ssyncadd.s32 $0xFFFFFFFF  }
0xa5: {  	s26 =	simm.s32 $execute0_lowered;
	[smem:$0x3FD2] =	sst s25  }
0xa6: {  	s4 =	sshll.u32 s26, $0x1;
	_ =	strace $0x80000046;
	[dreg:$0x1] =	wrdreg $0xFFFFFFFF  }
0xa7: {  	s28 =	simm.s32 $_size_execute0_lowered;
	s2 =	sadd.s32 s2, s4;
	[dreg:$0x0] =	wrdreg $0x0  }
0xa8: {  	s4 =	sshll.u32 s28, $0x1;
	[dreg:$0x2] =	wrdreg s2  }
0xa9: {  	[dreg:$0x3] =	wrdreg s4  }
0xaa: {  	[dreg:$0x4] =	wrdreg $0xC0  }
0xab: {  	_ =	task [dreg:s6], $0x5FFFF  }
0xac: {  	[dreg:$0x1] =	wrdreg $0xFFFFFFFF  }
0xad: {  	[dreg:$0x0] =	wrdreg $0x60  }
0xae: {  	[dreg:$0x2] =	wrdreg s24  }
0xaf: {  	[dreg:$0x3] =	wrdreg $0xA  }
0xb0: {  	_ =	task.clear_ibuf [dreg:s6], $0x4FFFF;
	_ =	strace $0x90000046  }
0xb1: {  	s29 =	simm.s32 $0xA;
	_ =	strace $0x80000048  }
0xb2: {  	_ =	swait.ge [sflag:s29], $0x1  }
0xb3: {  	[sflag:s29] =	ssyncadd.s32 $0xFFFFFFFF  }
0xb4: {  	_ =	strace $0x90000048  }
0xb5: {  	_ =	sfence  }
0xb6: {  	s30 =	sld [smem:$0x0];
	_ =	sdelay $0x2  }
0xb7: {  	s31 =	sshll.u32 s1, $0xD;
	s1 =	sshrl.u32 s1, $0x2  }
0xb8: {  	s3 =	sand.u32 $0x4000, s31;
	s1 =	sadd.s32 s1, s30  }
0xb9: {  	s0 =	sor.u32 s3, s0;
	s1 =	sshll.u32 s1, $0x11  }
0xba: {  	s0 =	sor.u32 s1, s0  }
0xbb: {  	s0 =	sadd.s32 $0x8F2B, s0  }
0xbc: {  	[sflag:s0] =	ssyncadd.remote.s32 $0x1  }
0xbd: {  	_ =	sfence.sel $0xFFFF  }
0xbe: {  	[dreg:$0x0] =	wrdreg $0xFFFFFFFF;
	(pc) =	sbr.abs _section_cstart, $3  }
0xbf: {  	[dreg:$0x1] =	wrdreg $0xFFFFFFFF  }
0xc0: {  	_ =	task.clear_ibuf [dreg:s6], $0x2FFFF;
	_ =	strace $0x9FFFFFFF  }
0xc1: {  	(tm) =	ssettm $0x7FFFFFFF  }
tec
execute0_lowered:
.L_overlay_start_1:
0x0: {  	(tag) =	ssettag $0x1  }
0x1: {  	s1 =	srdreg.scid;
	s0 =	stileid.u32  }
0x2: {  	s6 =	sand.u32 $0x1, s1;
	s30 =	sshll.u32 s0, $0x1  }
0x3: {  	s9 =	rddreg [dreg:$0x0];
	s7 =	sor.u32 s6, s30  }
0x4: {  	s2 =	simm.s32 $0x0;
	s1 =	rddreg [dreg:$0x1];
	s3 =	smul.u32 $0xA, s7  }
0x5: {  	s8 =	simm.s32 $0x1;
	[smem:$0x7FF] =	sst s2;
	s5 =	sadd.s32 $0x3400, s9  }
0x6: {  	_ =	strace $0x80000047;
	s11 =	ssub.s32 $0x2, s6;
	s3 =	sadd.s32 s3, s9  }
0x7: {  	s6 =	simm.s32 $0x50;
	s4 =	sadd.s32 $0xA3400, s3;
	s3 =	simm.s32 $0x2  }
0x8: {  	[tilespmem:s2], [sflag:$0x2] =	stream.linear.gather [hbm4b:s4+s2], $0x50, $0x38;
	[tilespmem:$0x2880] =	vst v63  }
0x9: {  	s10 =	smul.u32 $0x500, s7;
	s12 =	sshrl.u32 s11, $0x1;
	_ =	swait.ge [sflag:s3], $0x50  }
0xa: {  	s7 =	simm.s32 $0x80;
	s31 =	ssub.s32 s11, s12;
	[sflag:s3] =	ssyncset.done $0x0  }
0xb: {  	s9 =	sadd.s32 s10, s9;
	s10 =	smax.u32 s31, $0x1;
	[sflag:s3] =	ssyncadd.s32 $0xFFFFFFB0  }
0xc: {  	[tilespmem:s7], [sflag:$0x1] =	stream.indirect.gather [hbm4b:s5+s6], $0x80, s2, s6, $0xb8;
	[tilespmem:$0x2880] =	vst v63  }
0xd: {  	p0 =	sne.s32 s10, $0x1;
	_ =	swait.ge [sflag:s8], $0x2800  }
.Ltmp0:
0xe: {  	[sflag:s8] =	ssyncset.done $0x0;
	(pc) =	sbr.rel @!p0 .LBB2_2-.Ltmp0, $4  }
0xf: {  	s9 =	sadd.s32 $0xA3600, s9;
	[sflag:s8] =	ssyncadd.s32 $0xFFFFD800  }
0x10: {  	[hbm4b:s9+s2] =	stream.linear.scatter [tilespmem:s7], [sflag:$0x2], $0x2800, $0x38;
	[tilespmem:$0x2880] =	vst v63  }
0x11: {  	_ =	swait.ge [sflag:s3], $0x2800  }
0x12: {  	s10 =	sadd.s32 $0xFFFFFFFF, s10;
	[sflag:s3] =	ssyncset.done $0x0  }
.LBB2_1:
0x13: {  	p0 =	sne.s32 s10, $0x1;
	s10 =	sadd.s32 $0xFFFFFFFF, s10;
	[sflag:s3] =	ssyncadd.s32 $0xFFFFD800  }
0x14: {  	[tilespmem:s2], [sflag:$0x2] =	stream.linear.gather [hbm4b:s4+s2], $0x50, $0x38;
	[tilespmem:$0x2880] =	vst v63  }
0x15: {  	_ =	swait.ge [sflag:s3], $0x50  }
0x16: {  	[sflag:s3] =	ssyncset.done $0x0  }
0x17: {  	[sflag:s3] =	ssyncadd.s32 $0xFFFFFFB0  }
0x18: {  	[tilespmem:s7], [sflag:$0x1] =	stream.indirect.gather [hbm4b:s5+s6], $0x80, s2, s6, $0xb8;
	[tilespmem:$0x2880] =	vst v63  }
0x19: {  	_ =	swait.ge [sflag:s8], $0x2800  }
.Ltmp1:
0x1a: {  	[sflag:s8] =	ssyncset.done $0x0;
	(pc) =	sbr.rel @p0 .LBB2_1-.Ltmp1, $4  }
0x1b: {  	[sflag:s8] =	ssyncadd.s32 $0xFFFFD800  }
0x1c: {  	[hbm4b:s9+s2] =	stream.linear.scatter [tilespmem:s7], [sflag:$0x2], $0x2800, $0x38;
	[tilespmem:$0x2880] =	vst v63  }
0x1d: {  	_ =	swait.ge [sflag:s3], $0x2800  }
0x1e: {  	[sflag:s3] =	ssyncset.done $0x0  }
.LBB2_2:
0x1f: {  	[sflag:s3] =	ssyncadd.s32 $0xFFFFD800  }
0x20: {  	_ =	sfence.sel $0x180000  }
0x21: {  	[bflag:$0x0] =	sbarrier.arrive $0xFFFF  }
0x22: {  	p0 =	sne.s32 s0, $0x0;
	_ =	strace $0x90000047  }
0x23: {  	s0 =	sadd.s32 @!p0 $0x100000, s1;
	[bflag:$0x2] =	sbarrier.arrive $0xFFFF  }
0x24: {  	[sflag:s0] =	ssyncadd.tile.s32 @!p0 $0x1;
	_ =	shalt  }
.Lfunc_end2:
_tile_overlayer_lowered:
.L_overlay_start_2:
0x25: {  	(tag) =	ssettag $0x2  }
0x26: {  	s0 =	rddreg [dreg:$0x0];
	s2 =	stileid.u32  }
0x27: {  	s1 =	rddreg [dreg:$0x1];
	p0 =	sne.s32 s2, $0x0  }
0x28: {  	s3 =	rddreg [dreg:$0x2];
	[bflag:$0x3] =	sbarrier.arrive $0xFFFF;
	s2 =	simm.s32 @!p0 $0x1C02  }
0x29: {  	[timem:s3], [sflag:s2] =	dma.local @!p0 [hbm:s0], s1  }
0x2a: {  	s0 =	simm.s32 @!p0 $0x2  }
0x2b: {  	_ =	swait.ge @!p0 [sflag:s0], s1  }
0x2c: {  	s1 =	ssub.s32 @!p0 $0x0, s1;
	[sflag:s0] =	ssyncset.done @!p0 $0x0  }
0x2d: {  	[sflag:s0] =	ssyncadd.s32 @!p0 s1  }
0x2e: {  	[bflag:$0x3] =	sbarrier.arrive $0xFFFF  }
0x2f: {  	_ =	shalt  }

</sc_bundles>
